<compile_context>
chip_gen: v7x
topology: tpu7x:2x2x1
jax: 0.10.2.dev20260603
libtpu: 0.0.44.dev20260713+nightly
codegen_flags: <defaults>
</compile_context>

<pallas_src>
import functools

import jax
import jax.numpy as jnp
from jax import lax
from jax.experimental import pallas as pl
from jax.experimental.pallas import tpu as pltpu
from jax.experimental.pallas import tpu_sc as plsc


@functools.cache
def _make_sc_gather(V, H, B):
    info = plsc.get_sparse_core_info()
    NC, NS = info.num_cores, info.num_subcores
    NW = NC * NS
    assert B % (8 * NW) == 0
    b_per_w = B // NW
    mesh = plsc.VectorSubcoreMesh(core_axis_name="c", subcore_axis_name="s")

    @functools.partial(
        pl.kernel,
        mesh=mesh,
        out_type=jax.ShapeDtypeStruct((B, H), jnp.float32),
        scratch_types=[
            pltpu.VMEM((b_per_w,), jnp.int32),
            pltpu.VMEM((b_per_w, H), jnp.float32),
            pltpu.SemaphoreType.DMA,
        ],
    )
    def gather_k(table_hbm, idx_hbm, out_hbm, idx_v, rows_v, sem):
        wid = lax.axis_index("s") * NC + lax.axis_index("c")
        base = wid * b_per_w
        pltpu.sync_copy(idx_hbm.at[pl.ds(base, b_per_w)], idx_v)
        for c in range(b_per_w // 16):
            chunk = idx_v[pl.ds(c * 16, 16)]
            for i in range(16):
                pltpu.async_copy(
                    table_hbm.at[pl.ds(chunk[i], 1)],
                    rows_v.at[pl.ds(c * 16 + i, 1)],
                    sem,
                )
        pltpu.make_async_copy(
            table_hbm.at[pl.ds(0, b_per_w)], rows_v, sem
        ).wait()
        pltpu.sync_copy(rows_v, out_hbm.at[pl.ds(base, b_per_w)])

    return gather_k


def _proj_body(x_ref, wt_ref, b_ref, o_ref):
    acc = lax.dot_general(
        x_ref[...],
        wt_ref[...],
        dimension_numbers=(((1,), (0,)), ((), ())),
        preferred_element_type=jnp.float32,
    )
    o_ref[...] = acc + b_ref[...]


@functools.cache
def _make_proj(B, H, V, bt):
    return pl.pallas_call(
        _proj_body,
        grid=(B // bt,),
        in_specs=[
            pl.BlockSpec((bt, H), lambda jb: (jb, 0)),
            pl.BlockSpec((H, V), lambda jb: (0, 0)),
            pl.BlockSpec((1, V), lambda jb: (0, 0)),
        ],
        out_specs=pl.BlockSpec((bt, V), lambda jb: (jb, 0)),
        out_shape=jax.ShapeDtypeStruct((B, V), jnp.float32),
        compiler_params=pltpu.CompilerParams(
            vmem_limit_bytes=100 * 1024 * 1024,
        ),
    )


def kernel(input_ids, embedding, lm_head_w, lm_head_b):
    B = input_ids.shape[0]
    V, H = embedding.shape
    x = _make_sc_gather(V, H, B)(embedding, input_ids.astype(jnp.int32))
    return _make_proj(B, H, V, 32)(x, lm_head_w.T, lm_head_b.reshape(1, V))

# --- scband reference (transcript-rebuilt; emitter-appended) ---
"""Pipeline reference for scband-tiny-model-36532991820113 (READ-ONLY COPY).

The authoritative reference and input builder live on the scoring server;
editing this copy changes nothing except your own understanding.
"""

import jax, jax.numpy as jnp
import numpy as np

VOCAB = 100000
HIDDEN = 64
BATCH = 1024

def setup_inputs(seed: int = 0) -> dict:
    key = jax.random.key(seed)
    k_idx, k_emb, k_w, k_b = jax.random.split(key, 4)
    input_ids = jax.random.randint(k_idx, (BATCH,), 0, VOCAB, dtype=jnp.int64 if jax.config.jax_enable_x64 else jnp.int32)
    embedding = jax.random.normal(k_emb, (VOCAB, HIDDEN), dtype=jnp.float32)
    # nn.Linear(hidden, vocab): weight [vocab, hidden], bias [vocab]
    lim = 1.0 / np.sqrt(HIDDEN)
    lm_head_w = jax.random.uniform(k_w, (VOCAB, HIDDEN), minval=-lim, maxval=lim, dtype=jnp.float32)
    lm_head_b = jax.random.uniform(k_b, (VOCAB,), minval=-lim, maxval=lim, dtype=jnp.float32)
    return {"input_ids": input_ids, "embedding": embedding, "lm_head_w": lm_head_w, "lm_head_b": lm_head_b}

def reference(input_ids, embedding, lm_head_w, lm_head_b):
    # x = self.embedding(input_ids)
    x = jnp.take(embedding, input_ids, axis=0)  # [B, H]
    # return self.lm_head(x)
    logits = x @ lm_head_w.T + lm_head_b  # [B, V]
    return logits

if __name__ == "__main__":
    import jax
    _d = setup_inputs()
    print(jax.jit(kernel)(*tuple(_d.values())))

</pallas_src>

<mosaic_0001>
#map = affine_map<(d0, d1) -> (0, 0)>
#map1 = affine_map<(d0, d1) -> (0)>
module attributes {stable_mosaic.version = 14 : i64} {
  func.func @gather_k(%arg0: i32, %arg1: i32, %arg2: memref<100000x64xf32, #tpu.memory_space<hbm>>, %arg3: memref<1024xi32, #tpu.memory_space<hbm>>, %arg4: memref<1024x64xf32, #tpu.memory_space<hbm>>, %arg5: memref<32xi32, #tpu.memory_space<vmem>>, %arg6: memref<32x64xf32, #tpu.memory_space<vmem>>, %arg7: memref<!tpu.dma_semaphore, #tpu.memory_space<semaphore_mem>>) attributes {dimension_semantics = [#tpu.dimension_semantics<core_parallel>, #tpu.dimension_semantics<subcore_parallel>], iteration_bounds = array<i64: 2, 16>, scalar_prefetch = 0 : i64, scratch_operands = 3 : i64, tpu.core_type = #tpu.core_type<sc_vector_subcore>, window_params = [{transform_indices = #map}, {transform_indices = #map1}, {transform_indices = #map}]} {
    %mul3A = arith.constant 2 : i32
    %mul3A_0 = arith.muli %arg1, %mul3A : i32
    %add3A = arith.addi %mul3A_0, %arg0 : i32
    %mul3A_1 = arith.constant 32 : i32
    %mul3A_2 = arith.muli %add3A, %mul3A_1 : i32
    "tpu.region"() ({
      %run_scoped3A = tpu.sem_alloc : memref<!tpu.dma_semaphore, #tpu.memory_space<semaphore_mem>>
      %dma_start3A_394 = tpu.memref_slice %arg3[%mul3A_2] : memref<1024xi32, #tpu.memory_space<hbm>> -> memref<32xi32, #tpu.memory_space<hbm>>
      %dma_start3A_395 = tpu.memref_slice %arg3[%mul3A_2] : memref<1024xi32, #tpu.memory_space<hbm>> -> memref<32xi32, #tpu.memory_space<hbm>>
      tpu.enqueue_dma source(%dma_start3A_395 : memref<32xi32, #tpu.memory_space<hbm>>) target(%arg5 : memref<32xi32, #tpu.memory_space<vmem>>) target_semaphore(%run_scoped3A : memref<!tpu.dma_semaphore, #tpu.memory_space<semaphore_mem>>)
      %dma_wait3A_396 = tpu.memref_slice %arg3[%mul3A_2] : memref<1024xi32, #tpu.memory_space<hbm>> -> memref<32xi32, #tpu.memory_space<hbm>>
      %dma_wait3A_397 = tpu.memref_slice %arg3[%mul3A_2] : memref<1024xi32, #tpu.memory_space<hbm>> -> memref<32xi32, #tpu.memory_space<hbm>>
      tpu.wait_dma2 semaphore(%run_scoped3A : memref<!tpu.dma_semaphore, #tpu.memory_space<semaphore_mem>>) src(%dma_wait3A_397 : memref<32xi32, #tpu.memory_space<hbm>>) dst(%arg5 : memref<32xi32, #tpu.memory_space<vmem>>)
      tpu.yield
    }) : () -> ()
    %get3A = arith.constant 0 : index
    %get3A_3 = tpu.vector_load %arg5[%get3A] {strides = array<i32>} : memref<32xi32, #tpu.memory_space<vmem>>, vector<16xi32>,
    %get3A_4 = vector.shape_cast %get3A_3 : vector<16xi32> to vector<16xi32>
    %slice3A = vector.extract_strided_slice %get3A_4 {offsets = [0], sizes = [1], strides = [1]} : vector<16xi32> to vector<1xi32>
    %squeeze3A = vector.extract %slice3A[0] : i32 from vector<1xi32>
    %dma_start3A = arith.constant 0 : i32
    %dma_start3A_5 = arith.constant 0 : i32
    %dma_start3A_6 = tpu.memref_slice %arg6[%dma_start3A, %dma_start3A_5] : memref<32x64xf32, #tpu.memory_space<vmem>> -> memref<1x64xf32, #tpu.memory_space<vmem>>
    %dma_start3A_7 = arith.constant 0 : i32
    %dma_start3A_8 = tpu.memref_slice %arg2[%squeeze3A, %dma_start3A_7] : memref<100000x64xf32, #tpu.memory_space<hbm>> -> memref<1x64xf32, #tpu.memory_space<hbm>>
    %dma_start3A_9 = arith.constant 0 : i32
    %dma_start3A_10 = arith.constant 0 : i32
    %dma_start3A_11 = tpu.memref_slice %arg6[%dma_start3A_9, %dma_start3A_10] : memref<32x64xf32, #tpu.memory_space<vmem>> -> memref<1x64xf32, #tpu.memory_space<vmem>>
    %dma_start3A_12 = arith.constant 0 : i32
    %dma_start3A_13 = tpu.memref_slice %arg2[%squeeze3A, %dma_start3A_12] : memref<100000x64xf32, #tpu.memory_space<hbm>> -> memref<1x64xf32, #tpu.memory_space<hbm>>
    tpu.enqueue_dma source(%dma_start3A_13 : memref<1x64xf32, #tpu.memory_space<hbm>>) target(%dma_start3A_11 : memref<1x64xf32, #tpu.memory_space<vmem>>) target_semaphore(%arg7 : memref<!tpu.dma_semaphore, #tpu.memory_space<semaphore_mem>>)
    %slice3A_14 = vector.extract_strided_slice %get3A_4 {offsets = [1], sizes = [1], strides = [1]} : vector<16xi32> to vector<1xi32>
    %squeeze3A_15 = vector.extract %slice3A_14[0] : i32 from vector<1xi32>
    %dma_start3A_16 = arith.constant 1 : i32
    %dma_start3A_17 = arith.constant 0 : i32
    %dma_start3A_18 = tpu.memref_slice %arg6[%dma_start3A_16, %dma_start3A_17] : memref<32x64xf32, #tpu.memory_space<vmem>> -> memref<1x64xf32, #tpu.memory_space<vmem>>
    %dma_start3A_19 = arith.constant 0 : i32
    %dma_start3A_20 = tpu.memref_slice %arg2[%squeeze3A_15, %dma_start3A_19] : memref<100000x64xf32, #tpu.memory_space<hbm>> -> memref<1x64xf32, #tpu.memory_space<hbm>>
    %dma_start3A_21 = arith.constant 1 : i32
    %dma_start3A_22 = arith.constant 0 : i32
    %dma_start3A_23 = tpu.memref_slice %arg6[%dma_start3A_21, %dma_start3A_22] : memref<32x64xf32, #tpu.memory_space<vmem>> -> memref<1x64xf32, #tpu.memory_space<vmem>>
    %dma_start3A_24 = arith.constant 0 : i32
    %dma_start3A_25 = tpu.memref_slice %arg2[%squeeze3A_15, %dma_start3A_24] : memref<100000x64xf32, #tpu.memory_space<hbm>> -> memref<1x64xf32, #tpu.memory_space<hbm>>
    tpu.enqueue_dma source(%dma_start3A_25 : memref<1x64xf32, #tpu.memory_space<hbm>>) target(%dma_start3A_23 : memref<1x64xf32, #tpu.memory_space<vmem>>) target_semaphore(%arg7 : memref<!tpu.dma_semaphore, #tpu.memory_space<semaphore_mem>>)
    %slice3A_26 = vector.extract_strided_slice %get3A_4 {offsets = [2], sizes = [1], strides = [1]} : vector<16xi32> to vector<1xi32>
    %squeeze3A_27 = vector.extract %slice3A_26[0] : i32 from vector<1xi32>
    %dma_start3A_28 = arith.constant 2 : i32
    %dma_start3A_29 = arith.constant 0 : i32
    %dma_start3A_30 = tpu.memref_slice %arg6[%dma_start3A_28, %dma_start3A_29] : memref<32x64xf32, #tpu.memory_space<vmem>> -> memref<1x64xf32, #tpu.memory_space<vmem>>
    %dma_start3A_31 = arith.constant 0 : i32
    %dma_start3A_32 = tpu.memref_slice %arg2[%squeeze3A_27, %dma_start3A_31] : memref<100000x64xf32, #tpu.memory_space<hbm>> -> memref<1x64xf32, #tpu.memory_space<hbm>>
    %dma_start3A_33 = arith.constant 2 : i32
    %dma_start3A_34 = arith.constant 0 : i32
    %dma_start3A_35 = tpu.memref_slice %arg6[%dma_start3A_33, %dma_start3A_34] : memref<32x64xf32, #tpu.memory_space<vmem>> -> memref<1x64xf32, #tpu.memory_space<vmem>>
    %dma_start3A_36 = arith.constant 0 : i32
    %dma_start3A_37 = tpu.memref_slice %arg2[%squeeze3A_27, %dma_start3A_36] : memref<100000x64xf32, #tpu.memory_space<hbm>> -> memref<1x64xf32, #tpu.memory_space<hbm>>
    tpu.enqueue_dma source(%dma_start3A_37 : memref<1x64xf32, #tpu.memory_space<hbm>>) target(%dma_start3A_35 : memref<1x64xf32, #tpu.memory_space<vmem>>) target_semaphore(%arg7 : memref<!tpu.dma_semaphore, #tpu.memory_space<semaphore_mem>>)
    %slice3A_38 = vector.extract_strided_slice %get3A_4 {offsets = [3], sizes = [1], strides = [1]} : vector<16xi32> to vector<1xi32>
    %squeeze3A_39 = vector.extract %slice3A_38[0] : i32 from vector<1xi32>
    %dma_start3A_40 = arith.constant 3 : i32
    %dma_start3A_41 = arith.constant 0 : i32
    %dma_start3A_42 = tpu.memref_slice %arg6[%dma_start3A_40, %dma_start3A_41] : memref<32x64xf32, #tpu.memory_space<vmem>> -> memref<1x64xf32, #tpu.memory_space<vmem>>
    %dma_start3A_43 = arith.constant 0 : i32
    %dma_start3A_44 = tpu.memref_slice %arg2[%squeeze3A_39, %dma_start3A_43] : memref<100000x64xf32, #tpu.memory_space<hbm>> -> memref<1x64xf32, #tpu.memory_space<hbm>>
    %dma_start3A_45 = arith.constant 3 : i32
    %dma_start3A_46 = arith.constant 0 : i32
    %dma_start3A_47 = tpu.memref_slice %arg6[%dma_start3A_45, %dma_start3A_46] : memref<32x64xf32, #tpu.memory_space<vmem>> -> memref<1x64xf32, #tpu.memory_space<vmem>>
    %dma_start3A_48 = arith.constant 0 : i32
    %dma_start3A_49 = tpu.memref_slice %arg2[%squeeze3A_39, %dma_start3A_48] : memref<100000x64xf32, #tpu.memory_space<hbm>> -> memref<1x64xf32, #tpu.memory_space<hbm>>
    tpu.enqueue_dma source(%dma_start3A_49 : memref<1x64xf32, #tpu.memory_space<hbm>>) target(%dma_start3A_47 : memref<1x64xf32, #tpu.memory_space<vmem>>) target_semaphore(%arg7 : memref<!tpu.dma_semaphore, #tpu.memory_space<semaphore_mem>>)
    %slice3A_50 = vector.extract_strided_slice %get3A_4 {offsets = [4], sizes = [1], strides = [1]} : vector<16xi32> to vector<1xi32>
    %squeeze3A_51 = vector.extract %slice3A_50[0] : i32 from vector<1xi32>
    %dma_start3A_52 = arith.constant 4 : i32
    %dma_start3A_53 = arith.constant 0 : i32
    %dma_start3A_54 = tpu.memref_slice %arg6[%dma_start3A_52, %dma_start3A_53] : memref<32x64xf32, #tpu.memory_space<vmem>> -> memref<1x64xf32, #tpu.memory_space<vmem>>
    %dma_start3A_55 = arith.constant 0 : i32
    %dma_start3A_56 = tpu.memref_slice %arg2[%squeeze3A_51, %dma_start3A_55] : memref<100000x64xf32, #tpu.memory_space<hbm>> -> memref<1x64xf32, #tpu.memory_space<hbm>>
    %dma_start3A_57 = arith.constant 4 : i32
    %dma_start3A_58 = arith.constant 0 : i32
    %dma_start3A_59 = tpu.memref_slice %arg6[%dma_start3A_57, %dma_start3A_58] : memref<32x64xf32, #tpu.memory_space<vmem>> -> memref<1x64xf32, #tpu.memory_space<vmem>>
    %dma_start3A_60 = arith.constant 0 : i32
    %dma_start3A_61 = tpu.memref_slice %arg2[%squeeze3A_51, %dma_start3A_60] : memref<100000x64xf32, #tpu.memory_space<hbm>> -> memref<1x64xf32, #tpu.memory_space<hbm>>
    tpu.enqueue_dma source(%dma_start3A_61 : memref<1x64xf32, #tpu.memory_space<hbm>>) target(%dma_start3A_59 : memref<1x64xf32, #tpu.memory_space<vmem>>) target_semaphore(%arg7 : memref<!tpu.dma_semaphore, #tpu.memory_space<semaphore_mem>>)
    %slice3A_62 = vector.extract_strided_slice %get3A_4 {offsets = [5], sizes = [1], strides = [1]} : vector<16xi32> to vector<1xi32>
    %squeeze3A_63 = vector.extract %slice3A_62[0] : i32 from vector<1xi32>
    %dma_start3A_64 = arith.constant 5 : i32
    %dma_start3A_65 = arith.constant 0 : i32
    %dma_start3A_66 = tpu.memref_slice %arg6[%dma_start3A_64, %dma_start3A_65] : memref<32x64xf32, #tpu.memory_space<vmem>> -> memref<1x64xf32, #tpu.memory_space<vmem>>
    %dma_start3A_67 = arith.constant 0 : i32
    %dma_start3A_68 = tpu.memref_slice %arg2[%squeeze3A_63, %dma_start3A_67] : memref<100000x64xf32, #tpu.memory_space<hbm>> -> memref<1x64xf32, #tpu.memory_space<hbm>>
    %dma_start3A_69 = arith.constant 5 : i32
    %dma_start3A_70 = arith.constant 0 : i32
    %dma_start3A_71 = tpu.memref_slice %arg6[%dma_start3A_69, %dma_start3A_70] : memref<32x64xf32, #tpu.memory_space<vmem>> -> memref<1x64xf32, #tpu.memory_space<vmem>>
    %dma_start3A_72 = arith.constant 0 : i32
    %dma_start3A_73 = tpu.memref_slice %arg2[%squeeze3A_63, %dma_start3A_72] : memref<100000x64xf32, #tpu.memory_space<hbm>> -> memref<1x64xf32, #tpu.memory_space<hbm>>
    tpu.enqueue_dma source(%dma_start3A_73 : memref<1x64xf32, #tpu.memory_space<hbm>>) target(%dma_start3A_71 : memref<1x64xf32, #tpu.memory_space<vmem>>) target_semaphore(%arg7 : memref<!tpu.dma_semaphore, #tpu.memory_space<semaphore_mem>>)
    %slice3A_74 = vector.extract_strided_slice %get3A_4 {offsets = [6], sizes = [1], strides = [1]} : vector<16xi32> to vector<1xi32>
    %squeeze3A_75 = vector.extract %slice3A_74[0] : i32 from vector<1xi32>
    %dma_start3A_76 = arith.constant 6 : i32
    %dma_start3A_77 = arith.constant 0 : i32
    %dma_start3A_78 = tpu.memref_slice %arg6[%dma_start3A_76, %dma_start3A_77] : memref<32x64xf32, #tpu.memory_space<vmem>> -> memref<1x64xf32, #tpu.memory_space<vmem>>
    %dma_start3A_79 = arith.constant 0 : i32
    %dma_start3A_80 = tpu.memref_slice %arg2[%squeeze3A_75, %dma_start3A_79] : memref<100000x64xf32, #tpu.memory_space<hbm>> -> memref<1x64xf32, #tpu.memory_space<hbm>>
    %dma_start3A_81 = arith.constant 6 : i32
    %dma_start3A_82 = arith.constant 0 : i32
    %dma_start3A_83 = tpu.memref_slice %arg6[%dma_start3A_81, %dma_start3A_82] : memref<32x64xf32, #tpu.memory_space<vmem>> -> memref<1x64xf32, #tpu.memory_space<vmem>>
    %dma_start3A_84 = arith.constant 0 : i32
    %dma_start3A_85 = tpu.memref_slice %arg2[%squeeze3A_75, %dma_start3A_84] : memref<100000x64xf32, #tpu.memory_space<hbm>> -> memref<1x64xf32, #tpu.memory_space<hbm>>
    tpu.enqueue_dma source(%dma_start3A_85 : memref<1x64xf32, #tpu.memory_space<hbm>>) target(%dma_start3A_83 : memref<1x64xf32, #tpu.memory_space<vmem>>) target_semaphore(%arg7 : memref<!tpu.dma_semaphore, #tpu.memory_space<semaphore_mem>>)
    %slice3A_86 = vector.extract_strided_slice %get3A_4 {offsets = [7], sizes = [1], strides = [1]} : vector<16xi32> to vector<1xi32>
    %squeeze3A_87 = vector.extract %slice3A_86[0] : i32 from vector<1xi32>
    %dma_start3A_88 = arith.constant 7 : i32
    %dma_start3A_89 = arith.constant 0 : i32
    %dma_start3A_90 = tpu.memref_slice %arg6[%dma_start3A_88, %dma_start3A_89] : memref<32x64xf32, #tpu.memory_space<vmem>> -> memref<1x64xf32, #tpu.memory_space<vmem>>
    %dma_start3A_91 = arith.constant 0 : i32
    %dma_start3A_92 = tpu.memref_slice %arg2[%squeeze3A_87, %dma_start3A_91] : memref<100000x64xf32, #tpu.memory_space<hbm>> -> memref<1x64xf32, #tpu.memory_space<hbm>>
    %dma_start3A_93 = arith.constant 7 : i32
    %dma_start3A_94 = arith.constant 0 : i32
    %dma_start3A_95 = tpu.memref_slice %arg6[%dma_start3A_93, %dma_start3A_94] : memref<32x64xf32, #tpu.memory_space<vmem>> -> memref<1x64xf32, #tpu.memory_space<vmem>>
    %dma_start3A_96 = arith.constant 0 : i32
    %dma_start3A_97 = tpu.memref_slice %arg2[%squeeze3A_87, %dma_start3A_96] : memref<100000x64xf32, #tpu.memory_space<hbm>> -> memref<1x64xf32, #tpu.memory_space<hbm>>
    tpu.enqueue_dma source(%dma_start3A_97 : memref<1x64xf32, #tpu.memory_space<hbm>>) target(%dma_start3A_95 : memref<1x64xf32, #tpu.memory_space<vmem>>) target_semaphore(%arg7 : memref<!tpu.dma_semaphore, #tpu.memory_space<semaphore_mem>>)
    %slice3A_98 = vector.extract_strided_slice %get3A_4 {offsets = [8], sizes = [1], strides = [1]} : vector<16xi32> to vector<1xi32>
    %squeeze3A_99 = vector.extract %slice3A_98[0] : i32 from vector<1xi32>
    %dma_start3A_100 = arith.constant 8 : i32
    %dma_start3A_101 = arith.constant 0 : i32
    %dma_start3A_102 = tpu.memref_slice %arg6[%dma_start3A_100, %dma_start3A_101] : memref<32x64xf32, #tpu.memory_space<vmem>> -> memref<1x64xf32, #tpu.memory_space<vmem>>
    %dma_start3A_103 = arith.constant 0 : i32
    %dma_start3A_104 = tpu.memref_slice %arg2[%squeeze3A_99, %dma_start3A_103] : memref<100000x64xf32, #tpu.memory_space<hbm>> -> memref<1x64xf32, #tpu.memory_space<hbm>>
    %dma_start3A_105 = arith.constant 8 : i32
    %dma_start3A_106 = arith.constant 0 : i32
    %dma_start3A_107 = tpu.memref_slice %arg6[%dma_start3A_105, %dma_start3A_106] : memref<32x64xf32, #tpu.memory_space<vmem>> -> memref<1x64xf32, #tpu.memory_space<vmem>>
    %dma_start3A_108 = arith.constant 0 : i32
    %dma_start3A_109 = tpu.memref_slice %arg2[%squeeze3A_99, %dma_start3A_108] : memref<100000x64xf32, #tpu.memory_space<hbm>> -> memref<1x64xf32, #tpu.memory_space<hbm>>
    tpu.enqueue_dma source(%dma_start3A_109 : memref<1x64xf32, #tpu.memory_space<hbm>>) target(%dma_start3A_107 : memref<1x64xf32, #tpu.memory_space<vmem>>) target_semaphore(%arg7 : memref<!tpu.dma_semaphore, #tpu.memory_space<semaphore_mem>>)
    %slice3A_110 = vector.extract_strided_slice %get3A_4 {offsets = [9], sizes = [1], strides = [1]} : vector<16xi32> to vector<1xi32>
    %squeeze3A_111 = vector.extract %slice3A_110[0] : i32 from vector<1xi32>
    %dma_start3A_112 = arith.constant 9 : i32
    %dma_start3A_113 = arith.constant 0 : i32
    %dma_start3A_114 = tpu.memref_slice %arg6[%dma_start3A_112, %dma_start3A_113] : memref<32x64xf32, #tpu.memory_space<vmem>> -> memref<1x64xf32, #tpu.memory_space<vmem>>
    %dma_start3A_115 = arith.constant 0 : i32
    %dma_start3A_116 = tpu.memref_slice %arg2[%squeeze3A_111, %dma_start3A_115] : memref<100000x64xf32, #tpu.memory_space<hbm>> -> memref<1x64xf32, #tpu.memory_space<hbm>>
    %dma_start3A_117 = arith.constant 9 : i32
    %dma_start3A_118 = arith.constant 0 : i32
    %dma_start3A_119 = tpu.memref_slice %arg6[%dma_start3A_117, %dma_start3A_118] : memref<32x64xf32, #tpu.memory_space<vmem>> -> memref<1x64xf32, #tpu.memory_space<vmem>>
    %dma_start3A_120 = arith.constant 0 : i32
    %dma_start3A_121 = tpu.memref_slice %arg2[%squeeze3A_111, %dma_start3A_120] : memref<100000x64xf32, #tpu.memory_space<hbm>> -> memref<1x64xf32, #tpu.memory_space<hbm>>
    tpu.enqueue_dma source(%dma_start3A_121 : memref<1x64xf32, #tpu.memory_space<hbm>>) target(%dma_start3A_119 : memref<1x64xf32, #tpu.memory_space<vmem>>) target_semaphore(%arg7 : memref<!tpu.dma_semaphore, #tpu.memory_space<semaphore_mem>>)
    %slice3A_122 = vector.extract_strided_slice %get3A_4 {offsets = [10], sizes = [1], strides = [1]} : vector<16xi32> to vector<1xi32>
    %squeeze3A_123 = vector.extract %slice3A_122[0] : i32 from vector<1xi32>
    %dma_start3A_124 = arith.constant 10 : i32
    %dma_start3A_125 = arith.constant 0 : i32
    %dma_start3A_126 = tpu.memref_slice %arg6[%dma_start3A_124, %dma_start3A_125] : memref<32x64xf32, #tpu.memory_space<vmem>> -> memref<1x64xf32, #tpu.memory_space<vmem>>
    %dma_start3A_127 = arith.constant 0 : i32
    %dma_start3A_128 = tpu.memref_slice %arg2[%squeeze3A_123, %dma_start3A_127] : memref<100000x64xf32, #tpu.memory_space<hbm>> -> memref<1x64xf32, #tpu.memory_space<hbm>>
    %dma_start3A_129 = arith.constant 10 : i32
    %dma_start3A_130 = arith.constant 0 : i32
    %dma_start3A_131 = tpu.memref_slice %arg6[%dma_start3A_129, %dma_start3A_130] : memref<32x64xf32, #tpu.memory_space<vmem>> -> memref<1x64xf32, #tpu.memory_space<vmem>>
    %dma_start3A_132 = arith.constant 0 : i32
    %dma_start3A_133 = tpu.memref_slice %arg2[%squeeze3A_123, %dma_start3A_132] : memref<100000x64xf32, #tpu.memory_space<hbm>> -> memref<1x64xf32, #tpu.memory_space<hbm>>
    tpu.enqueue_dma source(%dma_start3A_133 : memref<1x64xf32, #tpu.memory_space<hbm>>) target(%dma_start3A_131 : memref<1x64xf32, #tpu.memory_space<vmem>>) target_semaphore(%arg7 : memref<!tpu.dma_semaphore, #tpu.memory_space<semaphore_mem>>)
    %slice3A_134 = vector.extract_strided_slice %get3A_4 {offsets = [11], sizes = [1], strides = [1]} : vector<16xi32> to vector<1xi32>
    %squeeze3A_135 = vector.extract %slice3A_134[0] : i32 from vector<1xi32>
    %dma_start3A_136 = arith.constant 11 : i32
    %dma_start3A_137 = arith.constant 0 : i32
    %dma_start3A_138 = tpu.memref_slice %arg6[%dma_start3A_136, %dma_start3A_137] : memref<32x64xf32, #tpu.memory_space<vmem>> -> memref<1x64xf32, #tpu.memory_space<vmem>>
    %dma_start3A_139 = arith.constant 0 : i32
    %dma_start3A_140 = tpu.memref_slice %arg2[%squeeze3A_135, %dma_start3A_139] : memref<100000x64xf32, #tpu.memory_space<hbm>> -> memref<1x64xf32, #tpu.memory_space<hbm>>
    %dma_start3A_141 = arith.constant 11 : i32
    %dma_start3A_142 = arith.constant 0 : i32
    %dma_start3A_143 = tpu.memref_slice %arg6[%dma_start3A_141, %dma_start3A_142] : memref<32x64xf32, #tpu.memory_space<vmem>> -> memref<1x64xf32, #tpu.memory_space<vmem>>
    %dma_start3A_144 = arith.constant 0 : i32
    %dma_start3A_145 = tpu.memref_slice %arg2[%squeeze3A_135, %dma_start3A_144] : memref<100000x64xf32, #tpu.memory_space<hbm>> -> memref<1x64xf32, #tpu.memory_space<hbm>>
    tpu.enqueue_dma source(%dma_start3A_145 : memref<1x64xf32, #tpu.memory_space<hbm>>) target(%dma_start3A_143 : memref<1x64xf32, #tpu.memory_space<vmem>>) target_semaphore(%arg7 : memref<!tpu.dma_semaphore, #tpu.memory_space<semaphore_mem>>)
    %slice3A_146 = vector.extract_strided_slice %get3A_4 {offsets = [12], sizes = [1], strides = [1]} : vector<16xi32> to vector<1xi32>
    %squeeze3A_147 = vector.extract %slice3A_146[0] : i32 from vector<1xi32>
    %dma_start3A_148 = arith.constant 12 : i32
    %dma_start3A_149 = arith.constant 0 : i32
    %dma_start3A_150 = tpu.memref_slice %arg6[%dma_start3A_148, %dma_start3A_149] : memref<32x64xf32, #tpu.memory_space<vmem>> -> memref<1x64xf32, #tpu.memory_space<vmem>>
    %dma_start3A_151 = arith.constant 0 : i32
    %dma_start3A_152 = tpu.memref_slice %arg2[%squeeze3A_147, %dma_start3A_151] : memref<100000x64xf32, #tpu.memory_space<hbm>> -> memref<1x64xf32, #tpu.memory_space<hbm>>
    %dma_start3A_153 = arith.constant 12 : i32
    %dma_start3A_154 = arith.constant 0 : i32
    %dma_start3A_155 = tpu.memref_slice %arg6[%dma_start3A_153, %dma_start3A_154] : memref<32x64xf32, #tpu.memory_space<vmem>> -> memref<1x64xf32, #tpu.memory_space<vmem>>
    %dma_start3A_156 = arith.constant 0 : i32
    %dma_start3A_157 = tpu.memref_slice %arg2[%squeeze3A_147, %dma_start3A_156] : memref<100000x64xf32, #tpu.memory_space<hbm>> -> memref<1x64xf32, #tpu.memory_space<hbm>>
    tpu.enqueue_dma source(%dma_start3A_157 : memref<1x64xf32, #tpu.memory_space<hbm>>) target(%dma_start3A_155 : memref<1x64xf32, #tpu.memory_space<vmem>>) target_semaphore(%arg7 : memref<!tpu.dma_semaphore, #tpu.memory_space<semaphore_mem>>)
    %slice3A_158 = vector.extract_strided_slice %get3A_4 {offsets = [13], sizes = [1], strides = [1]} : vector<16xi32> to vector<1xi32>
    %squeeze3A_159 = vector.extract %slice3A_158[0] : i32 from vector<1xi32>
    %dma_start3A_160 = arith.constant 13 : i32
    %dma_start3A_161 = arith.constant 0 : i32
    %dma_start3A_162 = tpu.memref_slice %arg6[%dma_start3A_160, %dma_start3A_161] : memref<32x64xf32, #tpu.memory_space<vmem>> -> memref<1x64xf32, #tpu.memory_space<vmem>>
    %dma_start3A_163 = arith.constant 0 : i32
    %dma_start3A_164 = tpu.memref_slice %arg2[%squeeze3A_159, %dma_start3A_163] : memref<100000x64xf32, #tpu.memory_space<hbm>> -> memref<1x64xf32, #tpu.memory_space<hbm>>
    %dma_start3A_165 = arith.constant 13 : i32
    %dma_start3A_166 = arith.constant 0 : i32
    %dma_start3A_167 = tpu.memref_slice %arg6[%dma_start3A_165, %dma_start3A_166] : memref<32x64xf32, #tpu.memory_space<vmem>> -> memref<1x64xf32, #tpu.memory_space<vmem>>
    %dma_start3A_168 = arith.constant 0 : i32
    %dma_start3A_169 = tpu.memref_slice %arg2[%squeeze3A_159, %dma_start3A_168] : memref<100000x64xf32, #tpu.memory_space<hbm>> -> memref<1x64xf32, #tpu.memory_space<hbm>>
    tpu.enqueue_dma source(%dma_start3A_169 : memref<1x64xf32, #tpu.memory_space<hbm>>) target(%dma_start3A_167 : memref<1x64xf32, #tpu.memory_space<vmem>>) target_semaphore(%arg7 : memref<!tpu.dma_semaphore, #tpu.memory_space<semaphore_mem>>)
    %slice3A_170 = vector.extract_strided_slice %get3A_4 {offsets = [14], sizes = [1], strides = [1]} : vector<16xi32> to vector<1xi32>
    %squeeze3A_171 = vector.extract %slice3A_170[0] : i32 from vector<1xi32>
    %dma_start3A_172 = arith.constant 14 : i32
    %dma_start3A_173 = arith.constant 0 : i32
    %dma_start3A_174 = tpu.memref_slice %arg6[%dma_start3A_172, %dma_start3A_173] : memref<32x64xf32, #tpu.memory_space<vmem>> -> memref<1x64xf32, #tpu.memory_space<vmem>>
    %dma_start3A_175 = arith.constant 0 : i32
    %dma_start3A_176 = tpu.memref_slice %arg2[%squeeze3A_171, %dma_start3A_175] : memref<100000x64xf32, #tpu.memory_space<hbm>> -> memref<1x64xf32, #tpu.memory_space<hbm>>
    %dma_start3A_177 = arith.constant 14 : i32
    %dma_start3A_178 = arith.constant 0 : i32
    %dma_start3A_179 = tpu.memref_slice %arg6[%dma_start3A_177, %dma_start3A_178] : memref<32x64xf32, #tpu.memory_space<vmem>> -> memref<1x64xf32, #tpu.memory_space<vmem>>
    %dma_start3A_180 = arith.constant 0 : i32
    %dma_start3A_181 = tpu.memref_slice %arg2[%squeeze3A_171, %dma_start3A_180] : memref<100000x64xf32, #tpu.memory_space<hbm>> -> memref<1x64xf32, #tpu.memory_space<hbm>>
    tpu.enqueue_dma source(%dma_start3A_181 : memref<1x64xf32, #tpu.memory_space<hbm>>) target(%dma_start3A_179 : memref<1x64xf32, #tpu.memory_space<vmem>>) target_semaphore(%arg7 : memref<!tpu.dma_semaphore, #tpu.memory_space<semaphore_mem>>)
    %slice3A_182 = vector.extract_strided_slice %get3A_4 {offsets = [15], sizes = [1], strides = [1]} : vector<16xi32> to vector<1xi32>
    %squeeze3A_183 = vector.extract %slice3A_182[0] : i32 from vector<1xi32>
    %dma_start3A_184 = arith.constant 15 : i32
    %dma_start3A_185 = arith.constant 0 : i32
    %dma_start3A_186 = tpu.memref_slice %arg6[%dma_start3A_184, %dma_start3A_185] : memref<32x64xf32, #tpu.memory_space<vmem>> -> memref<1x64xf32, #tpu.memory_space<vmem>>
    %dma_start3A_187 = arith.constant 0 : i32
    %dma_start3A_188 = tpu.memref_slice %arg2[%squeeze3A_183, %dma_start3A_187] : memref<100000x64xf32, #tpu.memory_space<hbm>> -> memref<1x64xf32, #tpu.memory_space<hbm>>
    %dma_start3A_189 = arith.constant 15 : i32
    %dma_start3A_190 = arith.constant 0 : i32
    %dma_start3A_191 = tpu.memref_slice %arg6[%dma_start3A_189, %dma_start3A_190] : memref<32x64xf32, #tpu.memory_space<vmem>> -> memref<1x64xf32, #tpu.memory_space<vmem>>
    %dma_start3A_192 = arith.constant 0 : i32
    %dma_start3A_193 = tpu.memref_slice %arg2[%squeeze3A_183, %dma_start3A_192] : memref<100000x64xf32, #tpu.memory_space<hbm>> -> memref<1x64xf32, #tpu.memory_space<hbm>>
    tpu.enqueue_dma source(%dma_start3A_193 : memref<1x64xf32, #tpu.memory_space<hbm>>) target(%dma_start3A_191 : memref<1x64xf32, #tpu.memory_space<vmem>>) target_semaphore(%arg7 : memref<!tpu.dma_semaphore, #tpu.memory_space<semaphore_mem>>)
    %get3A_194 = arith.constant 16 : index
    %get3A_195 = tpu.vector_load %arg5[%get3A_194] {strides = array<i32>} : memref<32xi32, #tpu.memory_space<vmem>>, vector<16xi32>,
    %get3A_196 = vector.shape_cast %get3A_195 : vector<16xi32> to vector<16xi32>
    %slice3A_197 = vector.extract_strided_slice %get3A_196 {offsets = [0], sizes = [1], strides = [1]} : vector<16xi32> to vector<1xi32>
    %squeeze3A_198 = vector.extract %slice3A_197[0] : i32 from vector<1xi32>
    %dma_start3A_199 = arith.constant 16 : i32
    %dma_start3A_200 = arith.constant 0 : i32
    %dma_start3A_201 = tpu.memref_slice %arg6[%dma_start3A_199, %dma_start3A_200] : memref<32x64xf32, #tpu.memory_space<vmem>> -> memref<1x64xf32, #tpu.memory_space<vmem>>
    %dma_start3A_202 = arith.constant 0 : i32
    %dma_start3A_203 = tpu.memref_slice %arg2[%squeeze3A_198, %dma_start3A_202] : memref<100000x64xf32, #tpu.memory_space<hbm>> -> memref<1x64xf32, #tpu.memory_space<hbm>>
    %dma_start3A_204 = arith.constant 16 : i32
    %dma_start3A_205 = arith.constant 0 : i32
    %dma_start3A_206 = tpu.memref_slice %arg6[%dma_start3A_204, %dma_start3A_205] : memref<32x64xf32, #tpu.memory_space<vmem>> -> memref<1x64xf32, #tpu.memory_space<vmem>>
    %dma_start3A_207 = arith.constant 0 : i32
    %dma_start3A_208 = tpu.memref_slice %arg2[%squeeze3A_198, %dma_start3A_207] : memref<100000x64xf32, #tpu.memory_space<hbm>> -> memref<1x64xf32, #tpu.memory_space<hbm>>
    tpu.enqueue_dma source(%dma_start3A_208 : memref<1x64xf32, #tpu.memory_space<hbm>>) target(%dma_start3A_206 : memref<1x64xf32, #tpu.memory_space<vmem>>) target_semaphore(%arg7 : memref<!tpu.dma_semaphore, #tpu.memory_space<semaphore_mem>>)
    %slice3A_209 = vector.extract_strided_slice %get3A_196 {offsets = [1], sizes = [1], strides = [1]} : vector<16xi32> to vector<1xi32>
    %squeeze3A_210 = vector.extract %slice3A_209[0] : i32 from vector<1xi32>
    %dma_start3A_211 = arith.constant 17 : i32
    %dma_start3A_212 = arith.constant 0 : i32
    %dma_start3A_213 = tpu.memref_slice %arg6[%dma_start3A_211, %dma_start3A_212] : memref<32x64xf32, #tpu.memory_space<vmem>> -> memref<1x64xf32, #tpu.memory_space<vmem>>
    %dma_start3A_214 = arith.constant 0 : i32
    %dma_start3A_215 = tpu.memref_slice %arg2[%squeeze3A_210, %dma_start3A_214] : memref<100000x64xf32, #tpu.memory_space<hbm>> -> memref<1x64xf32, #tpu.memory_space<hbm>>
    %dma_start3A_216 = arith.constant 17 : i32
    %dma_start3A_217 = arith.constant 0 : i32
    %dma_start3A_218 = tpu.memref_slice %arg6[%dma_start3A_216, %dma_start3A_217] : memref<32x64xf32, #tpu.memory_space<vmem>> -> memref<1x64xf32, #tpu.memory_space<vmem>>
    %dma_start3A_219 = arith.constant 0 : i32
    %dma_start3A_220 = tpu.memref_slice %arg2[%squeeze3A_210, %dma_start3A_219] : memref<100000x64xf32, #tpu.memory_space<hbm>> -> memref<1x64xf32, #tpu.memory_space<hbm>>
    tpu.enqueue_dma source(%dma_start3A_220 : memref<1x64xf32, #tpu.memory_space<hbm>>) target(%dma_start3A_218 : memref<1x64xf32, #tpu.memory_space<vmem>>) target_semaphore(%arg7 : memref<!tpu.dma_semaphore, #tpu.memory_space<semaphore_mem>>)
    %slice3A_221 = vector.extract_strided_slice %get3A_196 {offsets = [2], sizes = [1], strides = [1]} : vector<16xi32> to vector<1xi32>
    %squeeze3A_222 = vector.extract %slice3A_221[0] : i32 from vector<1xi32>
    %dma_start3A_223 = arith.constant 18 : i32
    %dma_start3A_224 = arith.constant 0 : i32
    %dma_start3A_225 = tpu.memref_slice %arg6[%dma_start3A_223, %dma_start3A_224] : memref<32x64xf32, #tpu.memory_space<vmem>> -> memref<1x64xf32, #tpu.memory_space<vmem>>
    %dma_start3A_226 = arith.constant 0 : i32
    %dma_start3A_227 = tpu.memref_slice %arg2[%squeeze3A_222, %dma_start3A_226] : memref<100000x64xf32, #tpu.memory_space<hbm>> -> memref<1x64xf32, #tpu.memory_space<hbm>>
    %dma_start3A_228 = arith.constant 18 : i32
    %dma_start3A_229 = arith.constant 0 : i32
    %dma_start3A_230 = tpu.memref_slice %arg6[%dma_start3A_228, %dma_start3A_229] : memref<32x64xf32, #tpu.memory_space<vmem>> -> memref<1x64xf32, #tpu.memory_space<vmem>>
    %dma_start3A_231 = arith.constant 0 : i32
    %dma_start3A_232 = tpu.memref_slice %arg2[%squeeze3A_222, %dma_start3A_231] : memref<100000x64xf32, #tpu.memory_space<hbm>> -> memref<1x64xf32, #tpu.memory_space<hbm>>
    tpu.enqueue_dma source(%dma_start3A_232 : memref<1x64xf32, #tpu.memory_space<hbm>>) target(%dma_start3A_230 : memref<1x64xf32, #tpu.memory_space<vmem>>) target_semaphore(%arg7 : memref<!tpu.dma_semaphore, #tpu.memory_space<semaphore_mem>>)
    %slice3A_233 = vector.extract_strided_slice %get3A_196 {offsets = [3], sizes = [1], strides = [1]} : vector<16xi32> to vector<1xi32>
    %squeeze3A_234 = vector.extract %slice3A_233[0] : i32 from vector<1xi32>
    %dma_start3A_235 = arith.constant 19 : i32
    %dma_start3A_236 = arith.constant 0 : i32
    %dma_start3A_237 = tpu.memref_slice %arg6[%dma_start3A_235, %dma_start3A_236] : memref<32x64xf32, #tpu.memory_space<vmem>> -> memref<1x64xf32, #tpu.memory_space<vmem>>
    %dma_start3A_238 = arith.constant 0 : i32
    %dma_start3A_239 = tpu.memref_slice %arg2[%squeeze3A_234, %dma_start3A_238] : memref<100000x64xf32, #tpu.memory_space<hbm>> -> memref<1x64xf32, #tpu.memory_space<hbm>>
    %dma_start3A_240 = arith.constant 19 : i32
    %dma_start3A_241 = arith.constant 0 : i32
    %dma_start3A_242 = tpu.memref_slice %arg6[%dma_start3A_240, %dma_start3A_241] : memref<32x64xf32, #tpu.memory_space<vmem>> -> memref<1x64xf32, #tpu.memory_space<vmem>>
    %dma_start3A_243 = arith.constant 0 : i32
    %dma_start3A_244 = tpu.memref_slice %arg2[%squeeze3A_234, %dma_start3A_243] : memref<100000x64xf32, #tpu.memory_space<hbm>> -> memref<1x64xf32, #tpu.memory_space<hbm>>
    tpu.enqueue_dma source(%dma_start3A_244 : memref<1x64xf32, #tpu.memory_space<hbm>>) target(%dma_start3A_242 : memref<1x64xf32, #tpu.memory_space<vmem>>) target_semaphore(%arg7 : memref<!tpu.dma_semaphore, #tpu.memory_space<semaphore_mem>>)
    %slice3A_245 = vector.extract_strided_slice %get3A_196 {offsets = [4], sizes = [1], strides = [1]} : vector<16xi32> to vector<1xi32>
    %squeeze3A_246 = vector.extract %slice3A_245[0] : i32 from vector<1xi32>
    %dma_start3A_247 = arith.constant 20 : i32
    %dma_start3A_248 = arith.constant 0 : i32
    %dma_start3A_249 = tpu.memref_slice %arg6[%dma_start3A_247, %dma_start3A_248] : memref<32x64xf32, #tpu.memory_space<vmem>> -> memref<1x64xf32, #tpu.memory_space<vmem>>
    %dma_start3A_250 = arith.constant 0 : i32
    %dma_start3A_251 = tpu.memref_slice %arg2[%squeeze3A_246, %dma_start3A_250] : memref<100000x64xf32, #tpu.memory_space<hbm>> -> memref<1x64xf32, #tpu.memory_space<hbm>>
    %dma_start3A_252 = arith.constant 20 : i32
    %dma_start3A_253 = arith.constant 0 : i32
    %dma_start3A_254 = tpu.memref_slice %arg6[%dma_start3A_252, %dma_start3A_253] : memref<32x64xf32, #tpu.memory_space<vmem>> -> memref<1x64xf32, #tpu.memory_space<vmem>>
    %dma_start3A_255 = arith.constant 0 : i32
    %dma_start3A_256 = tpu.memref_slice %arg2[%squeeze3A_246, %dma_start3A_255] : memref<100000x64xf32, #tpu.memory_space<hbm>> -> memref<1x64xf32, #tpu.memory_space<hbm>>
    tpu.enqueue_dma source(%dma_start3A_256 : memref<1x64xf32, #tpu.memory_space<hbm>>) target(%dma_start3A_254 : memref<1x64xf32, #tpu.memory_space<vmem>>) target_semaphore(%arg7 : memref<!tpu.dma_semaphore, #tpu.memory_space<semaphore_mem>>)
    %slice3A_257 = vector.extract_strided_slice %get3A_196 {offsets = [5], sizes = [1], strides = [1]} : vector<16xi32> to vector<1xi32>
    %squeeze3A_258 = vector.extract %slice3A_257[0] : i32 from vector<1xi32>
    %dma_start3A_259 = arith.constant 21 : i32
    %dma_start3A_260 = arith.constant 0 : i32
    %dma_start3A_261 = tpu.memref_slice %arg6[%dma_start3A_259, %dma_start3A_260] : memref<32x64xf32, #tpu.memory_space<vmem>> -> memref<1x64xf32, #tpu.memory_space<vmem>>
    %dma_start3A_262 = arith.constant 0 : i32
    %dma_start3A_263 = tpu.memref_slice %arg2[%squeeze3A_258, %dma_start3A_262] : memref<100000x64xf32, #tpu.memory_space<hbm>> -> memref<1x64xf32, #tpu.memory_space<hbm>>
    %dma_start3A_264 = arith.constant 21 : i32
    %dma_start3A_265 = arith.constant 0 : i32
    %dma_start3A_266 = tpu.memref_slice %arg6[%dma_start3A_264, %dma_start3A_265] : memref<32x64xf32, #tpu.memory_space<vmem>> -> memref<1x64xf32, #tpu.memory_space<vmem>>
    %dma_start3A_267 = arith.constant 0 : i32
    %dma_start3A_268 = tpu.memref_slice %arg2[%squeeze3A_258, %dma_start3A_267] : memref<100000x64xf32, #tpu.memory_space<hbm>> -> memref<1x64xf32, #tpu.memory_space<hbm>>
    tpu.enqueue_dma source(%dma_start3A_268 : memref<1x64xf32, #tpu.memory_space<hbm>>) target(%dma_start3A_266 : memref<1x64xf32, #tpu.memory_space<vmem>>) target_semaphore(%arg7 : memref<!tpu.dma_semaphore, #tpu.memory_space<semaphore_mem>>)
    %slice3A_269 = vector.extract_strided_slice %get3A_196 {offsets = [6], sizes = [1], strides = [1]} : vector<16xi32> to vector<1xi32>
    %squeeze3A_270 = vector.extract %slice3A_269[0] : i32 from vector<1xi32>
    %dma_start3A_271 = arith.constant 22 : i32
    %dma_start3A_272 = arith.constant 0 : i32
    %dma_start3A_273 = tpu.memref_slice %arg6[%dma_start3A_271, %dma_start3A_272] : memref<32x64xf32, #tpu.memory_space<vmem>> -> memref<1x64xf32, #tpu.memory_space<vmem>>
    %dma_start3A_274 = arith.constant 0 : i32
    %dma_start3A_275 = tpu.memref_slice %arg2[%squeeze3A_270, %dma_start3A_274] : memref<100000x64xf32, #tpu.memory_space<hbm>> -> memref<1x64xf32, #tpu.memory_space<hbm>>
    %dma_start3A_276 = arith.constant 22 : i32
    %dma_start3A_277 = arith.constant 0 : i32
    %dma_start3A_278 = tpu.memref_slice %arg6[%dma_start3A_276, %dma_start3A_277] : memref<32x64xf32, #tpu.memory_space<vmem>> -> memref<1x64xf32, #tpu.memory_space<vmem>>
    %dma_start3A_279 = arith.constant 0 : i32
    %dma_start3A_280 = tpu.memref_slice %arg2[%squeeze3A_270, %dma_start3A_279] : memref<100000x64xf32, #tpu.memory_space<hbm>> -> memref<1x64xf32, #tpu.memory_space<hbm>>
    tpu.enqueue_dma source(%dma_start3A_280 : memref<1x64xf32, #tpu.memory_space<hbm>>) target(%dma_start3A_278 : memref<1x64xf32, #tpu.memory_space<vmem>>) target_semaphore(%arg7 : memref<!tpu.dma_semaphore, #tpu.memory_space<semaphore_mem>>)
    %slice3A_281 = vector.extract_strided_slice %get3A_196 {offsets = [7], sizes = [1], strides = [1]} : vector<16xi32> to vector<1xi32>
    %squeeze3A_282 = vector.extract %slice3A_281[0] : i32 from vector<1xi32>
    %dma_start3A_283 = arith.constant 23 : i32
    %dma_start3A_284 = arith.constant 0 : i32
    %dma_start3A_285 = tpu.memref_slice %arg6[%dma_start3A_283, %dma_start3A_284] : memref<32x64xf32, #tpu.memory_space<vmem>> -> memref<1x64xf32, #tpu.memory_space<vmem>>
    %dma_start3A_286 = arith.constant 0 : i32
    %dma_start3A_287 = tpu.memref_slice %arg2[%squeeze3A_282, %dma_start3A_286] : memref<100000x64xf32, #tpu.memory_space<hbm>> -> memref<1x64xf32, #tpu.memory_space<hbm>>
    %dma_start3A_288 = arith.constant 23 : i32
    %dma_start3A_289 = arith.constant 0 : i32
    %dma_start3A_290 = tpu.memref_slice %arg6[%dma_start3A_288, %dma_start3A_289] : memref<32x64xf32, #tpu.memory_space<vmem>> -> memref<1x64xf32, #tpu.memory_space<vmem>>
    %dma_start3A_291 = arith.constant 0 : i32
    %dma_start3A_292 = tpu.memref_slice %arg2[%squeeze3A_282, %dma_start3A_291] : memref<100000x64xf32, #tpu.memory_space<hbm>> -> memref<1x64xf32, #tpu.memory_space<hbm>>
    tpu.enqueue_dma source(%dma_start3A_292 : memref<1x64xf32, #tpu.memory_space<hbm>>) target(%dma_start3A_290 : memref<1x64xf32, #tpu.memory_space<vmem>>) target_semaphore(%arg7 : memref<!tpu.dma_semaphore, #tpu.memory_space<semaphore_mem>>)
    %slice3A_293 = vector.extract_strided_slice %get3A_196 {offsets = [8], sizes = [1], strides = [1]} : vector<16xi32> to vector<1xi32>
    %squeeze3A_294 = vector.extract %slice3A_293[0] : i32 from vector<1xi32>
    %dma_start3A_295 = arith.constant 24 : i32
    %dma_start3A_296 = arith.constant 0 : i32
    %dma_start3A_297 = tpu.memref_slice %arg6[%dma_start3A_295, %dma_start3A_296] : memref<32x64xf32, #tpu.memory_space<vmem>> -> memref<1x64xf32, #tpu.memory_space<vmem>>
    %dma_start3A_298 = arith.constant 0 : i32
    %dma_start3A_299 = tpu.memref_slice %arg2[%squeeze3A_294, %dma_start3A_298] : memref<100000x64xf32, #tpu.memory_space<hbm>> -> memref<1x64xf32, #tpu.memory_space<hbm>>
    %dma_start3A_300 = arith.constant 24 : i32
    %dma_start3A_301 = arith.constant 0 : i32
    %dma_start3A_302 = tpu.memref_slice %arg6[%dma_start3A_300, %dma_start3A_301] : memref<32x64xf32, #tpu.memory_space<vmem>> -> memref<1x64xf32, #tpu.memory_space<vmem>>
    %dma_start3A_303 = arith.constant 0 : i32
    %dma_start3A_304 = tpu.memref_slice %arg2[%squeeze3A_294, %dma_start3A_303] : memref<100000x64xf32, #tpu.memory_space<hbm>> -> memref<1x64xf32, #tpu.memory_space<hbm>>
    tpu.enqueue_dma source(%dma_start3A_304 : memref<1x64xf32, #tpu.memory_space<hbm>>) target(%dma_start3A_302 : memref<1x64xf32, #tpu.memory_space<vmem>>) target_semaphore(%arg7 : memref<!tpu.dma_semaphore, #tpu.memory_space<semaphore_mem>>)
    %slice3A_305 = vector.extract_strided_slice %get3A_196 {offsets = [9], sizes = [1], strides = [1]} : vector<16xi32> to vector<1xi32>
    %squeeze3A_306 = vector.extract %slice3A_305[0] : i32 from vector<1xi32>
    %dma_start3A_307 = arith.constant 25 : i32
    %dma_start3A_308 = arith.constant 0 : i32
    %dma_start3A_309 = tpu.memref_slice %arg6[%dma_start3A_307, %dma_start3A_308] : memref<32x64xf32, #tpu.memory_space<vmem>> -> memref<1x64xf32, #tpu.memory_space<vmem>>
    %dma_start3A_310 = arith.constant 0 : i32
    %dma_start3A_311 = tpu.memref_slice %arg2[%squeeze3A_306, %dma_start3A_310] : memref<100000x64xf32, #tpu.memory_space<hbm>> -> memref<1x64xf32, #tpu.memory_space<hbm>>
    %dma_start3A_312 = arith.constant 25 : i32
    %dma_start3A_313 = arith.constant 0 : i32
    %dma_start3A_314 = tpu.memref_slice %arg6[%dma_start3A_312, %dma_start3A_313] : memref<32x64xf32, #tpu.memory_space<vmem>> -> memref<1x64xf32, #tpu.memory_space<vmem>>
    %dma_start3A_315 = arith.constant 0 : i32
    %dma_start3A_316 = tpu.memref_slice %arg2[%squeeze3A_306, %dma_start3A_315] : memref<100000x64xf32, #tpu.memory_space<hbm>> -> memref<1x64xf32, #tpu.memory_space<hbm>>
    tpu.enqueue_dma source(%dma_start3A_316 : memref<1x64xf32, #tpu.memory_space<hbm>>) target(%dma_start3A_314 : memref<1x64xf32, #tpu.memory_space<vmem>>) target_semaphore(%arg7 : memref<!tpu.dma_semaphore, #tpu.memory_space<semaphore_mem>>)
    %slice3A_317 = vector.extract_strided_slice %get3A_196 {offsets = [10], sizes = [1], strides = [1]} : vector<16xi32> to vector<1xi32>
    %squeeze3A_318 = vector.extract %slice3A_317[0] : i32 from vector<1xi32>
    %dma_start3A_319 = arith.constant 26 : i32
    %dma_start3A_320 = arith.constant 0 : i32
    %dma_start3A_321 = tpu.memref_slice %arg6[%dma_start3A_319, %dma_start3A_320] : memref<32x64xf32, #tpu.memory_space<vmem>> -> memref<1x64xf32, #tpu.memory_space<vmem>>
    %dma_start3A_322 = arith.constant 0 : i32
    %dma_start3A_323 = tpu.memref_slice %arg2[%squeeze3A_318, %dma_start3A_322] : memref<100000x64xf32, #tpu.memory_space<hbm>> -> memref<1x64xf32, #tpu.memory_space<hbm>>
    %dma_start3A_324 = arith.constant 26 : i32
    %dma_start3A_325 = arith.constant 0 : i32
    %dma_start3A_326 = tpu.memref_slice %arg6[%dma_start3A_324, %dma_start3A_325] : memref<32x64xf32, #tpu.memory_space<vmem>> -> memref<1x64xf32, #tpu.memory_space<vmem>>
    %dma_start3A_327 = arith.constant 0 : i32
    %dma_start3A_328 = tpu.memref_slice %arg2[%squeeze3A_318, %dma_start3A_327] : memref<100000x64xf32, #tpu.memory_space<hbm>> -> memref<1x64xf32, #tpu.memory_space<hbm>>
    tpu.enqueue_dma source(%dma_start3A_328 : memref<1x64xf32, #tpu.memory_space<hbm>>) target(%dma_start3A_326 : memref<1x64xf32, #tpu.memory_space<vmem>>) target_semaphore(%arg7 : memref<!tpu.dma_semaphore, #tpu.memory_space<semaphore_mem>>)
    %slice3A_329 = vector.extract_strided_slice %get3A_196 {offsets = [11], sizes = [1], strides = [1]} : vector<16xi32> to vector<1xi32>
    %squeeze3A_330 = vector.extract %slice3A_329[0] : i32 from vector<1xi32>
    %dma_start3A_331 = arith.constant 27 : i32
    %dma_start3A_332 = arith.constant 0 : i32
    %dma_start3A_333 = tpu.memref_slice %arg6[%dma_start3A_331, %dma_start3A_332] : memref<32x64xf32, #tpu.memory_space<vmem>> -> memref<1x64xf32, #tpu.memory_space<vmem>>
    %dma_start3A_334 = arith.constant 0 : i32
    %dma_start3A_335 = tpu.memref_slice %arg2[%squeeze3A_330, %dma_start3A_334] : memref<100000x64xf32, #tpu.memory_space<hbm>> -> memref<1x64xf32, #tpu.memory_space<hbm>>
    %dma_start3A_336 = arith.constant 27 : i32
    %dma_start3A_337 = arith.constant 0 : i32
    %dma_start3A_338 = tpu.memref_slice %arg6[%dma_start3A_336, %dma_start3A_337] : memref<32x64xf32, #tpu.memory_space<vmem>> -> memref<1x64xf32, #tpu.memory_space<vmem>>
    %dma_start3A_339 = arith.constant 0 : i32
    %dma_start3A_340 = tpu.memref_slice %arg2[%squeeze3A_330, %dma_start3A_339] : memref<100000x64xf32, #tpu.memory_space<hbm>> -> memref<1x64xf32, #tpu.memory_space<hbm>>
    tpu.enqueue_dma source(%dma_start3A_340 : memref<1x64xf32, #tpu.memory_space<hbm>>) target(%dma_start3A_338 : memref<1x64xf32, #tpu.memory_space<vmem>>) target_semaphore(%arg7 : memref<!tpu.dma_semaphore, #tpu.memory_space<semaphore_mem>>)
    %slice3A_341 = vector.extract_strided_slice %get3A_196 {offsets = [12], sizes = [1], strides = [1]} : vector<16xi32> to vector<1xi32>
    %squeeze3A_342 = vector.extract %slice3A_341[0] : i32 from vector<1xi32>
    %dma_start3A_343 = arith.constant 28 : i32
    %dma_start3A_344 = arith.constant 0 : i32
    %dma_start3A_345 = tpu.memref_slice %arg6[%dma_start3A_343, %dma_start3A_344] : memref<32x64xf32, #tpu.memory_space<vmem>> -> memref<1x64xf32, #tpu.memory_space<vmem>>
    %dma_start3A_346 = arith.constant 0 : i32
    %dma_start3A_347 = tpu.memref_slice %arg2[%squeeze3A_342, %dma_start3A_346] : memref<100000x64xf32, #tpu.memory_space<hbm>> -> memref<1x64xf32, #tpu.memory_space<hbm>>
    %dma_start3A_348 = arith.constant 28 : i32
    %dma_start3A_349 = arith.constant 0 : i32
    %dma_start3A_350 = tpu.memref_slice %arg6[%dma_start3A_348, %dma_start3A_349] : memref<32x64xf32, #tpu.memory_space<vmem>> -> memref<1x64xf32, #tpu.memory_space<vmem>>
    %dma_start3A_351 = arith.constant 0 : i32
    %dma_start3A_352 = tpu.memref_slice %arg2[%squeeze3A_342, %dma_start3A_351] : memref<100000x64xf32, #tpu.memory_space<hbm>> -> memref<1x64xf32, #tpu.memory_space<hbm>>
    tpu.enqueue_dma source(%dma_start3A_352 : memref<1x64xf32, #tpu.memory_space<hbm>>) target(%dma_start3A_350 : memref<1x64xf32, #tpu.memory_space<vmem>>) target_semaphore(%arg7 : memref<!tpu.dma_semaphore, #tpu.memory_space<semaphore_mem>>)
    %slice3A_353 = vector.extract_strided_slice %get3A_196 {offsets = [13], sizes = [1], strides = [1]} : vector<16xi32> to vector<1xi32>
    %squeeze3A_354 = vector.extract %slice3A_353[0] : i32 from vector<1xi32>
    %dma_start3A_355 = arith.constant 29 : i32
    %dma_start3A_356 = arith.constant 0 : i32
    %dma_start3A_357 = tpu.memref_slice %arg6[%dma_start3A_355, %dma_start3A_356] : memref<32x64xf32, #tpu.memory_space<vmem>> -> memref<1x64xf32, #tpu.memory_space<vmem>>
    %dma_start3A_358 = arith.constant 0 : i32
    %dma_start3A_359 = tpu.memref_slice %arg2[%squeeze3A_354, %dma_start3A_358] : memref<100000x64xf32, #tpu.memory_space<hbm>> -> memref<1x64xf32, #tpu.memory_space<hbm>>
    %dma_start3A_360 = arith.constant 29 : i32
    %dma_start3A_361 = arith.constant 0 : i32
    %dma_start3A_362 = tpu.memref_slice %arg6[%dma_start3A_360, %dma_start3A_361] : memref<32x64xf32, #tpu.memory_space<vmem>> -> memref<1x64xf32, #tpu.memory_space<vmem>>
    %dma_start3A_363 = arith.constant 0 : i32
    %dma_start3A_364 = tpu.memref_slice %arg2[%squeeze3A_354, %dma_start3A_363] : memref<100000x64xf32, #tpu.memory_space<hbm>> -> memref<1x64xf32, #tpu.memory_space<hbm>>
    tpu.enqueue_dma source(%dma_start3A_364 : memref<1x64xf32, #tpu.memory_space<hbm>>) target(%dma_start3A_362 : memref<1x64xf32, #tpu.memory_space<vmem>>) target_semaphore(%arg7 : memref<!tpu.dma_semaphore, #tpu.memory_space<semaphore_mem>>)
    %slice3A_365 = vector.extract_strided_slice %get3A_196 {offsets = [14], sizes = [1], strides = [1]} : vector<16xi32> to vector<1xi32>
    %squeeze3A_366 = vector.extract %slice3A_365[0] : i32 from vector<1xi32>
    %dma_start3A_367 = arith.constant 30 : i32
    %dma_start3A_368 = arith.constant 0 : i32
    %dma_start3A_369 = tpu.memref_slice %arg6[%dma_start3A_367, %dma_start3A_368] : memref<32x64xf32, #tpu.memory_space<vmem>> -> memref<1x64xf32, #tpu.memory_space<vmem>>
    %dma_start3A_370 = arith.constant 0 : i32
    %dma_start3A_371 = tpu.memref_slice %arg2[%squeeze3A_366, %dma_start3A_370] : memref<100000x64xf32, #tpu.memory_space<hbm>> -> memref<1x64xf32, #tpu.memory_space<hbm>>
    %dma_start3A_372 = arith.constant 30 : i32
    %dma_start3A_373 = arith.constant 0 : i32
    %dma_start3A_374 = tpu.memref_slice %arg6[%dma_start3A_372, %dma_start3A_373] : memref<32x64xf32, #tpu.memory_space<vmem>> -> memref<1x64xf32, #tpu.memory_space<vmem>>
    %dma_start3A_375 = arith.constant 0 : i32
    %dma_start3A_376 = tpu.memref_slice %arg2[%squeeze3A_366, %dma_start3A_375] : memref<100000x64xf32, #tpu.memory_space<hbm>> -> memref<1x64xf32, #tpu.memory_space<hbm>>
    tpu.enqueue_dma source(%dma_start3A_376 : memref<1x64xf32, #tpu.memory_space<hbm>>) target(%dma_start3A_374 : memref<1x64xf32, #tpu.memory_space<vmem>>) target_semaphore(%arg7 : memref<!tpu.dma_semaphore, #tpu.memory_space<semaphore_mem>>)
    %slice3A_377 = vector.extract_strided_slice %get3A_196 {offsets = [15], sizes = [1], strides = [1]} : vector<16xi32> to vector<1xi32>
    %squeeze3A_378 = vector.extract %slice3A_377[0] : i32 from vector<1xi32>
    %dma_start3A_379 = arith.constant 31 : i32
    %dma_start3A_380 = arith.constant 0 : i32
    %dma_start3A_381 = tpu.memref_slice %arg6[%dma_start3A_379, %dma_start3A_380] : memref<32x64xf32, #tpu.memory_space<vmem>> -> memref<1x64xf32, #tpu.memory_space<vmem>>
    %dma_start3A_382 = arith.constant 0 : i32
    %dma_start3A_383 = tpu.memref_slice %arg2[%squeeze3A_378, %dma_start3A_382] : memref<100000x64xf32, #tpu.memory_space<hbm>> -> memref<1x64xf32, #tpu.memory_space<hbm>>
    %dma_start3A_384 = arith.constant 31 : i32
    %dma_start3A_385 = arith.constant 0 : i32
    %dma_start3A_386 = tpu.memref_slice %arg6[%dma_start3A_384, %dma_start3A_385] : memref<32x64xf32, #tpu.memory_space<vmem>> -> memref<1x64xf32, #tpu.memory_space<vmem>>
    %dma_start3A_387 = arith.constant 0 : i32
    %dma_start3A_388 = tpu.memref_slice %arg2[%squeeze3A_378, %dma_start3A_387] : memref<100000x64xf32, #tpu.memory_space<hbm>> -> memref<1x64xf32, #tpu.memory_space<hbm>>
    tpu.enqueue_dma source(%dma_start3A_388 : memref<1x64xf32, #tpu.memory_space<hbm>>) target(%dma_start3A_386 : memref<1x64xf32, #tpu.memory_space<vmem>>) target_semaphore(%arg7 : memref<!tpu.dma_semaphore, #tpu.memory_space<semaphore_mem>>)
    %dma_wait3A = arith.constant 0 : i32
    %dma_wait3A_389 = arith.constant 0 : i32
    %dma_wait3A_390 = tpu.memref_slice %arg2[%dma_wait3A, %dma_wait3A_389] : memref<100000x64xf32, #tpu.memory_space<hbm>> -> memref<32x64xf32, #tpu.memory_space<hbm>>
    %dma_wait3A_391 = arith.constant 0 : i32
    %dma_wait3A_392 = arith.constant 0 : i32
    %dma_wait3A_393 = tpu.memref_slice %arg2[%dma_wait3A_391, %dma_wait3A_392] : memref<100000x64xf32, #tpu.memory_space<hbm>> -> memref<32x64xf32, #tpu.memory_space<hbm>>
    tpu.wait_dma2 semaphore(%arg7 : memref<!tpu.dma_semaphore, #tpu.memory_space<semaphore_mem>>) src(%dma_wait3A_393 : memref<32x64xf32, #tpu.memory_space<hbm>>) dst(%arg6 : memref<32x64xf32, #tpu.memory_space<vmem>>)
    "tpu.region"() ({
      %run_scoped3A = tpu.sem_alloc : memref<!tpu.dma_semaphore, #tpu.memory_space<semaphore_mem>>
      %dma_start3A_394 = arith.constant 0 : i32
      %dma_start3A_395 = tpu.memref_slice %arg4[%mul3A_2, %dma_start3A_394] : memref<1024x64xf32, #tpu.memory_space<hbm>> -> memref<32x64xf32, #tpu.memory_space<hbm>>
      %dma_start3A_396 = arith.constant 0 : i32
      %dma_start3A_397 = tpu.memref_slice %arg4[%mul3A_2, %dma_start3A_396] : memref<1024x64xf32, #tpu.memory_space<hbm>> -> memref<32x64xf32, #tpu.memory_space<hbm>>
      tpu.enqueue_dma source(%arg6 : memref<32x64xf32, #tpu.memory_space<vmem>>) target(%dma_start3A_397 : memref<32x64xf32, #tpu.memory_space<hbm>>) target_semaphore(%run_scoped3A : memref<!tpu.dma_semaphore, #tpu.memory_space<semaphore_mem>>)
      %dma_wait3A_398 = arith.constant 0 : i32
      %dma_wait3A_399 = tpu.memref_slice %arg4[%mul3A_2, %dma_wait3A_398] : memref<1024x64xf32, #tpu.memory_space<hbm>> -> memref<32x64xf32, #tpu.memory_space<hbm>>
      %dma_wait3A_400 = arith.constant 0 : i32
      %dma_wait3A_401 = tpu.memref_slice %arg4[%mul3A_2, %dma_wait3A_400] : memref<1024x64xf32, #tpu.memory_space<hbm>> -> memref<32x64xf32, #tpu.memory_space<hbm>>
      tpu.wait_dma2 semaphore(%run_scoped3A : memref<!tpu.dma_semaphore, #tpu.memory_space<semaphore_mem>>) src(%arg6 : memref<32x64xf32, #tpu.memory_space<vmem>>) dst(%dma_wait3A_401 : memref<32x64xf32, #tpu.memory_space<hbm>>)
      tpu.yield
    }) : () -> ()
    return
  }
}

module attributes {stable_mosaic.version = 14 : i64} {
  func.func @_proj_body(%arg0: i32, %arg1: memref<32x64xf32, #tpu.memory_space<vmem>>, %arg2: memref<64x100000xf32, #tpu.memory_space<vmem>>, %arg3: memref<1x100000xf32, #tpu.memory_space<vmem>>, %arg4: memref<32x100000xf32, #tpu.memory_space<vmem>>) attributes {dimension_semantics = [#tpu.dimension_semantics<arbitrary>], iteration_bounds = array<i64: 32>, scalar_prefetch = 0 : i64, scratch_operands = 0 : i64, tpu.core_type = #tpu.core_type<tc>, window_params = [{transform_indices = @transform_0, window_bounds = array<i64: 32, 64>}, {pipeline_mode = #tpu.pipeline_mode<synchronous>, transform_indices = @transform_1, window_bounds = array<i64: 64, 100000>}, {pipeline_mode = #tpu.pipeline_mode<synchronous>, transform_indices = @transform_2, window_bounds = array<i64: 1, 100000>}, {transform_indices = @transform_3, window_bounds = array<i64: 32, 100000>}]} {
    %get3A = arith.constant 0 : index
    %get3A_0 = arith.constant 0 : index
    %get3A_1 = vector.load %arg1[%get3A, %get3A_0] : memref<32x64xf32, #tpu.memory_space<vmem>>, vector<32x64xf32>
    %get3A_2 = arith.constant 0 : index
    %get3A_3 = arith.constant 0 : index
    %get3A_4 = vector.load %arg2[%get3A_2, %get3A_3] : memref<64x100000xf32, #tpu.memory_space<vmem>>, vector<64x100000xf32>
    %dot_general3A = arith.constant dense<0.000000e+00> : vector<32x100000xf32>
    %dot_general3A_5 = tpu.matmul %get3A_1, %get3A_4, %dot_general3A {dimension_numbers = #tpu.dot_dimension_numbers<[1], [0], [0], [1], [0, 0, 1, 1], [], []>, transpose_lhs_hint = false} : vector<32x64xf32>, vector<64x100000xf32>, vector<32x100000xf32> -> vector<32x100000xf32>
    %get3A_6 = arith.constant 0 : index
    %get3A_7 = arith.constant 0 : index
    %get3A_8 = vector.load %arg3[%get3A_6, %get3A_7] : memref<1x100000xf32, #tpu.memory_space<vmem>>, vector<1x100000xf32>
    %add3A = vector.broadcast %get3A_8 : vector<1x100000xf32> to vector<32x100000xf32>
    %add3A_9 = arith.addf %dot_general3A_5, %add3A : vector<32x100000xf32>
    %swap3A = arith.constant 0 : index
    %swap3A_10 = arith.constant 0 : index
    %swap3A_11 = vector.load %arg4[%swap3A, %swap3A_10] : memref<32x100000xf32, #tpu.memory_space<vmem>>, vector<32x100000xf32>
    tpu.vector_store %arg4[%swap3A, %swap3A_10], %add3A_9 {strides = array<i32>} : memref<32x100000xf32, #tpu.memory_space<vmem>>, vector<32x100000xf32>,
    return
  }
  func.func @transform_0(%arg0: i32) -> (i32, i32) {
    %c0_i32 = arith.constant 0 : i32
    %c0_i32_0 = arith.constant 0 : i32
    return %arg0, %c0_i32 : i32, i32
  }
  func.func @transform_1(%arg0: i32) -> (i32, i32) {
    %c0_i32 = arith.constant 0 : i32
    %c0_i32_0 = arith.constant 0 : i32
    %c0_i32_1 = arith.constant 0 : i32
    return %c0_i32, %c0_i32_0 : i32, i32
  }
  func.func @transform_2(%arg0: i32) -> (i32, i32) {
    %c0_i32 = arith.constant 0 : i32
    %c0_i32_0 = arith.constant 0 : i32
    %c0_i32_1 = arith.constant 0 : i32
    return %c0_i32, %c0_i32_0 : i32, i32
  }
  func.func @transform_3(%arg0: i32) -> (i32, i32) {
    %c0_i32 = arith.constant 0 : i32
    %c0_i32_0 = arith.constant 0 : i32
    return %arg0, %c0_i32 : i32, i32
  }
}

</mosaic_0001>

<sc_bundles>
// kernel: kernel.4.cloned.1.call-start
scs
__scs_entry_jumppad:
0x0: {  	(pc) =	sbr.rel $0x88, $3  }
0x1: {  	(tag) =	ssettag $0x0;
	lr =	simm.s32 $0x1  }
0x2: {  	[smem:$0x3F9D] =	sst lr;
	_ =	strace $0xD0000000  }
0x3: {  	_ = 	snop  }
0x4: {  	_ = 	snop  }
0x5: {  	_ = 	snop  }
0x6: {  	_ = 	snop  }
0x7: {  	_ = 	snop  }
__scs_overlays_trampoline_lowered:
0x8: {  	[smem:$0x3FAC] =	sst s0  }
0x9: {  	[smem:$0x3FAD] =	sst s1  }
0xa: {  	[smem:$0x3FAE] =	sst s2  }
0xb: {  	[smem:$0x3FAF] =	sst s3  }
0xc: {  	[smem:$0x3FB0] =	sst s4  }
0xd: {  	[smem:$0x3FB1] =	sst s5  }
0xe: {  	[smem:$0x3FB2] =	sst s6  }
0xf: {  	[smem:$0x3FB3] =	sst s7  }
0x10: {  	[smem:$0x3FB4] =	sst s8  }
0x11: {  	[smem:$0x3FB5] =	sst s9;
	s0 =	simm.s32 @!p0 $0x0  }
0x12: {  	s1 =	sld [smem:$0x3F9B];
	s0 =	simm.s32 @p0 $0x1  }
0x13: {  	[smem:$0x3FB6] =	sst s0;
	s0 =	simm.s32 @!p1 $0x0  }
0x14: {  	s2 =	sld [smem:$0x3F9A];
	s0 =	simm.s32 @p1 $0x1  }
0x15: {  	[smem:$0x3FB7] =	sst s0;
	s0 =	simm.s32 @!p2 $0x0  }
0x16: {  	s3 =	sld [smem:$0x3FDB];
	s0 =	simm.s32 @p2 $0x1  }
0x17: {  	s4 =	simm.s32 $0x1BF5;
	[smem:$0x3FB9] =	sst s0  }
0x18: {  	s0 =	sld [smem:$0x3F9C];
	_ =	swait.ge [sflag:s4], $0x0  }
0x19: {  	s7 =	sld [smem:$0x3F9D]  }
0x1a: {  	s8 =	sadd.s32 $0xFFFFE003, lr  }
0x1b: {  	s9 =	sadd.s32 $0xFFFFFEF7, lr;
	s5 =	simm.s32 $0xFFFFFFFF;
	p2 =	slt.u32 s8, $0xFFFFF086  }
0x1c: {  	p1 =	slt.u32 s9, $0xF7A;
	s5 =	simm.s32 @!p2 $0x0  }
0x1d: {  	s5 =	simm.s32 @p1 $0x1;
	p0 =	seq.s32 s7, s2  }
0x1e: {  	s7 =	smul.u32 @!p0 $0xF7A, s2;
	p2 =	seq.s32 @!p0 s5, $0x0  }
0x1f: {  	s9 =	smul.u32 $0xF7A, s1;
	s8 =	simm.s32 @!p0 $0x1BF5;
	p2 =	por !p2, p0  }
0x20: {  	[sflag:s8] =	ssyncset.s32 @!p0 $0xFFFFF086;
	s6 =	sadd.s32 @!p0 s3, s7;
	s7 =	simm.s32 @!p0 $0x108  }
0x21: {  	s3 =	sadd.s32 s3, s9;
	s6 =	sadd.s32 @!p0 $0x88, s6;
	s7 =	simm.s32 @p2 $0x1082  }
0x22: {  	[simem:s7], [sflag:s8] =	dma.local @!p0 [hbm:s6], $0xF7A  }
0x23: {  	s9 =	sor.u32 $0xD0000000, s2;
	s6 =	simm.s32 $0x108;
	_ =	swait.ge @!p0 [sflag:s8], $0x0  }
0x24: {  	s3 =	sadd.s32 $0x88, s3;
	s6 =	simm.s32 @!p1 $0x1082;
	[sflag:s4] =	ssyncset.s32 $0xFFFFF086  }
0x25: {  	[simem:s6], [sflag:s4] =	dma.local [hbm:s3], $0xF7A  }
0x26: {  	[smem:$0x3F9D] =	sst s1;
	(tag) =	ssettag s2;
	_ =	strace s9  }
0x27: {  	s1 =	sld [smem:$0x3FAD]  }
0x28: {  	s2 =	sld [smem:$0x3FAE]  }
0x29: {  	s4 =	sld [smem:$0x3FB0]  }
0x2a: {  	p0 =	seq.s32 s5, $0x0;
	s5 =	sld [smem:$0x3FB1]  }
0x2b: {  	s6 =	sld [smem:$0x3FB2]  }
0x2c: {  	s7 =	sld [smem:$0x3FB3]  }
0x2d: {  	s3 =	simm.s32 $0x108;
	s8 =	sld [smem:$0x3FB4]  }
0x2e: {  	s3 =	simm.s32 @!p0 $0x1082;
	s9 =	sld [smem:$0x3FB5]  }
0x2f: {  	lr =	sadd.s32 s0, s3;
	s0 =	sld [smem:$0x3FAC]  }
0x30: {  	s3 =	sld [smem:$0x3FAF]  }
0x31: {  	[smem:$0x3FB8] =	sst s10  }
0x32: {  	s10 =	sld [smem:$0x3FB6];
	_ =	sdelay $0x3  }
0x33: {  	p0 =	seq.s32 s10, $0x1;
	s10 =	sld [smem:$0x3FB8];
	_ =	sdelay $0x3  }
0x34: {  	[smem:$0x3FB8] =	sst s10  }
0x35: {  	s10 =	sld [smem:$0x3FB7];
	_ =	sdelay $0x3  }
0x36: {  	p1 =	seq.s32 s10, $0x1;
	s10 =	sld [smem:$0x3FB8];
	_ =	sdelay $0x3  }
0x37: {  	[smem:$0x3FB8] =	sst s10  }
0x38: {  	s10 =	sld [smem:$0x3FB9]  }
0x39: {  	_ = 	snop;
	(pc) =	sbr.ind lr, $3  }
0x3a: {  	_ = 	snop  }
0x3b: {  	_ = 	snop  }
0x3c: {  	p2 =	seq.s32 s10, $0x1;
	s10 =	sld [smem:$0x3FB8]  }
0x3d: {  	_ =	shalt  }
0x3e: {  	_ =	shalt  }
0x3f: {  	_ =	shalt  }
0x40: {  	_ =	shalt  }
0x41: {  	_ =	shalt  }
0x42: {  	_ =	shalt  }
0x43: {  	_ =	shalt  }
0x44: {  	_ =	shalt  }
0x45: {  	_ =	shalt  }
0x46: {  	_ =	shalt  }
0x47: {  	_ =	shalt  }
0x48: {  	_ =	shalt  }
0x49: {  	_ =	shalt  }
0x4a: {  	_ =	shalt  }
0x4b: {  	_ =	shalt  }
0x4c: {  	_ =	shalt  }
0x4d: {  	_ =	shalt  }
0x4e: {  	_ =	shalt  }
0x4f: {  	_ =	shalt  }
0x50: {  	_ =	shalt  }
0x51: {  	_ =	shalt  }
0x52: {  	_ =	shalt  }
0x53: {  	_ =	shalt  }
0x54: {  	_ =	shalt  }
0x55: {  	_ =	shalt  }
0x56: {  	_ =	shalt  }
0x57: {  	_ =	shalt  }
0x58: {  	_ =	shalt  }
0x59: {  	_ =	shalt  }
0x5a: {  	_ =	shalt  }
0x5b: {  	_ =	shalt  }
0x5c: {  	_ =	shalt  }
0x5d: {  	_ =	shalt  }
0x5e: {  	_ =	shalt  }
0x5f: {  	_ =	shalt  }
0x60: {  	_ =	shalt  }
0x61: {  	_ =	shalt  }
0x62: {  	_ =	shalt  }
0x63: {  	_ =	shalt  }
0x64: {  	_ =	shalt  }
0x65: {  	_ =	shalt  }
0x66: {  	_ =	shalt  }
0x67: {  	_ =	shalt  }
0x68: {  	_ =	shalt  }
0x69: {  	_ =	shalt  }
0x6a: {  	_ =	shalt  }
0x6b: {  	_ =	shalt  }
0x6c: {  	_ =	shalt  }
0x6d: {  	_ =	shalt  }
0x6e: {  	_ =	shalt  }
0x6f: {  	_ =	shalt  }
0x70: {  	_ =	shalt  }
0x71: {  	_ =	shalt  }
0x72: {  	_ =	shalt  }
0x73: {  	_ =	shalt  }
0x74: {  	_ =	shalt  }
0x75: {  	_ =	shalt  }
0x76: {  	_ =	shalt  }
0x77: {  	_ =	shalt  }
0x78: {  	_ =	shalt  }
0x79: {  	_ =	shalt  }
0x7a: {  	_ =	shalt  }
0x7b: {  	_ =	shalt  }
0x7c: {  	_ =	shalt  }
0x7d: {  	_ =	shalt  }
0x7e: {  	_ =	shalt  }
0x7f: {  	_ =	shalt  }
0x80: {  	_ =	shalt  }
0x81: {  	_ =	shalt  }
0x82: {  	_ =	shalt  }
0x83: {  	_ =	shalt  }
0x84: {  	_ =	shalt  }
0x85: {  	_ =	shalt  }
0x86: {  	_ =	shalt  }
0x87: {  	_ =	shalt  }
.Lfunc_end0:
.L_simem_size_0:
called_computation_lowered:
.L_overlay_start_0:
0x88: {  	s2 =	sld [smem:$0x3FD9]  }
0x89: {  	s3 =	sld [smem:$0x3FFE];
	_ =	sdelay $0x1  }
0x8a: {  	s1 =	srdreg.scid  }
0x8b: {  	s0 =	sand.u32 $0x1, s1  }
0x8c: {  	s17 =	sshll.u32 s0, $0xA;
	s2 =	sadd.s32 s3, s2  }
0x8d: {  	s2 =	sadd.s32 s2, s17  }
0x8e: {  	[smem:$0x3FC4] =	sst s2  }
0x8f: {  	_ = 	snop  }
0x90: {  	s2 =	sld [smem:$0x3FC9]  }
0x91: {  	s18 =	sld [smem:$0x3FD0];
	(tm) =	ssettm $0x1  }
0x92: {  	s4 =	sld [smem:$0x3FFB];
	_ =	sdelay $0x3  }
0x93: {  	_ =	strace s4  }
0x94: {  	s4 =	sld [smem:$0x3FFC];
	_ =	sdelay $0x3  }
0x95: {  	_ =	strace s4  }
0x96: {  	s4 =	sld [smem:$0x3FFD];
	_ =	sdelay $0x3  }
0x97: {  	_ =	strace s4  }
0x98: {  	_ =	strace $0x8FFFFFFF  }
0x99: {  	s19 =	sld [smem:$0x3FDB];
	_ =	sdelay $0x1  }
0x9a: {  	s5 =	simm.s32 $_scs_section_size  }
0x9b: {  	s6 =	simm.s32 $_size__tile_overlayer_lowered;
	s7 =	simm.s32 $_tile_overlayer_lowered  }
0x9c: {  	s22 =	simm.s32 $0x1BFF;
	s21 =	sshll.u32 s7, $0x1;
	s4 =	sadd.s32 s5, s19  }
0x9d: {  	s8 =	simm.s32 $0x0;
	s20 =	sshll.u32 s6, $0x1;
	s6 =	sadd.s32 s21, s4  }
0x9e: {  	[timem:s8], [sflag:s22] =	dma.local [hbm:s6], s20  }
0x9f: {  	_ =	swait.ge [sflag:s22], s20  }
0xa0: {  	s5 =	ssub.s32 $0x0, s20;
	[sflag:s22] =	ssyncset.done $0x0  }
0xa1: {  	[sflag:s22] =	ssyncadd.s32 s5;
	_ =	sdelay $0x1  }
0xa2: {  	s23 =	simm.s32 $0x1B8B  }
0xa3: {  	_ =	swait.ge [sflag:s23], $0x1  }
0xa4: {  	[sflag:s23] =	ssyncset.done $0x0  }
0xa5: {  	s25 =	simm.s32 $0x1B8E;
	s24 =	sld [smem:$0x3FFE];
	[sflag:s23] =	ssyncadd.s32 $0xFFFFFFFF  }
0xa6: {  	s26 =	simm.s32 $execute0_lowered;
	[smem:$0x3FD2] =	sst s25  }
0xa7: {  	s6 =	sshll.u32 s26, $0x1;
	_ =	strace $0x80000046;
	[dreg:$0x1] =	wrdreg $0xFFFFFFFF  }
0xa8: {  	s28 =	simm.s32 $_size_execute0_lowered;
	s4 =	sadd.s32 s4, s6;
	[dreg:$0x0] =	wrdreg $0x0  }
0xa9: {  	s6 =	sshll.u32 s28, $0x1;
	[dreg:$0x2] =	wrdreg s4  }
0xaa: {  	[dreg:$0x3] =	wrdreg s6  }
0xab: {  	[dreg:$0x4] =	wrdreg $0xC0  }
0xac: {  	_ =	task [dreg:s8], $0x5FFFF  }
0xad: {  	[dreg:$0x1] =	wrdreg $0xFFFFFFFF  }
0xae: {  	[dreg:$0x0] =	wrdreg $0x60  }
0xaf: {  	[dreg:$0x2] =	wrdreg s18  }
0xb0: {  	[dreg:$0x3] =	wrdreg s2  }
0xb1: {  	[dreg:$0x4] =	wrdreg s24  }
0xb2: {  	[dreg:$0x5] =	wrdreg $0x9  }
0xb3: {  	_ =	task.clear_ibuf [dreg:s8], $0x6FFFF;
	_ =	strace $0x90000046  }
0xb4: {  	s29 =	simm.s32 $0x9;
	_ =	strace $0x80000048  }
0xb5: {  	_ =	swait.ge [sflag:s29], $0x1  }
0xb6: {  	[sflag:s29] =	ssyncadd.s32 $0xFFFFFFFF  }
0xb7: {  	_ =	strace $0x90000048  }
0xb8: {  	_ =	sfence  }
0xb9: {  	s30 =	sld [smem:$0x0];
	_ =	sdelay $0x2  }
0xba: {  	s31 =	sshll.u32 s1, $0xD;
	s1 =	sshrl.u32 s1, $0x2  }
0xbb: {  	s3 =	sand.u32 $0x4000, s31;
	s1 =	sadd.s32 s1, s30  }
0xbc: {  	s0 =	sor.u32 s3, s0;
	s1 =	sshll.u32 s1, $0x11  }
0xbd: {  	s0 =	sor.u32 s1, s0  }
0xbe: {  	s0 =	sadd.s32 $0x8F2B, s0  }
0xbf: {  	[sflag:s0] =	ssyncadd.remote.s32 $0x1  }
0xc0: {  	_ =	sfence.sel $0xFFFF  }
0xc1: {  	[dreg:$0x0] =	wrdreg $0xFFFFFFFF;
	(pc) =	sbr.abs _section_cstart, $3  }
0xc2: {  	[dreg:$0x1] =	wrdreg $0xFFFFFFFF  }
0xc3: {  	_ =	task.clear_ibuf [dreg:s8], $0x2FFFF;
	_ =	strace $0x9FFFFFFF  }
0xc4: {  	(tm) =	ssettm $0x7FFFFFFF  }
0xc5: {  	_ =	shalt  }
tec
execute0_lowered:
.L_overlay_start_1:
0x0: {  	(tag) =	ssettag $0x1  }
0x1: {  	s2 =	rddreg [dreg:$0x0]  }
0x2: {  	s5 =	rddreg [dreg:$0x1]  }
0x3: {  	s1 =	srdreg.scid;
	s6 =	rddreg [dreg:$0x2]  }
0x4: {  	s3 =	simm.s32 $0x0;
	s4 =	sand.u32 $0x1, s1;
	s1 =	rddreg [dreg:$0x3]  }
0x5: {  	s23 =	simm.s32 $0x100;
	[smem:$0x7FF] =	sst s3  }
0x6: {  	s24 =	simm.s32 $0x180;
	_ =	strace $0x80000047;
	[dreg:$0x6] =	wrdreg s23  }
0x7: {  	s25 =	simm.s32 $0x200;
	[dreg:$0x7] =	wrdreg s24  }
0x8: {  	s26 =	simm.s32 $0x280;
	[dreg:$0x8] =	wrdreg s25  }
0x9: {  	s28 =	simm.s32 $0x300;
	[dreg:$0x9] =	wrdreg s26  }
0xa: {  	s29 =	simm.s32 $0x380;
	[dreg:$0xa] =	wrdreg s28  }
0xb: {  	s30 =	simm.s32 $0x400;
	[dreg:$0xb] =	wrdreg s29  }
0xc: {  	s31 =	simm.s32 $0x480;
	[dreg:$0xc] =	wrdreg s30  }
0xd: {  	s9 =	simm.s32 $0x680;
	[dreg:$0xd] =	wrdreg s31  }
0xe: {  	s10 =	simm.s32 $0x700;
	[dreg:$0x11] =	wrdreg s9  }
0xf: {  	s11 =	simm.s32 $0x780;
	[dreg:$0x12] =	wrdreg s10  }
0x10: {  	s12 =	simm.s32 $0x800;
	[dreg:$0x13] =	wrdreg s11  }
0x11: {  	s13 =	simm.s32 $0x880;
	[dreg:$0x14] =	wrdreg s12  }
0x12: {  	s14 =	simm.s32 $0x900;
	[dreg:$0x15] =	wrdreg s13  }
0x13: {  	s15 =	simm.s32 $0x980;
	[dreg:$0x16] =	wrdreg s14  }
0x14: {  	s16 =	simm.s32 $0xA00;
	[dreg:$0x17] =	wrdreg s15  }
0x15: {  	s17 =	simm.s32 $0xA80;
	[dreg:$0x18] =	wrdreg s16  }
0x16: {  	s18 =	simm.s32 $0xB00;
	[dreg:$0x19] =	wrdreg s17  }
0x17: {  	s19 =	simm.s32 $0xB80;
	[dreg:$0x1a] =	wrdreg s18  }
0x18: {  	s20 =	simm.s32 $0xC00;
	[dreg:$0x1b] =	wrdreg s19  }
0x19: {  	s21 =	simm.s32 $0xC80;
	[dreg:$0x1c] =	wrdreg s20  }
0x1a: {  	s0 =	stileid.u32;
	[dreg:$0x1d] =	wrdreg s21;
	s23 =	simm.s32 $0xD80  }
0x1b: {  	s7 =	sshll.u32 s0, $0x6;
	s25 =	simm.s32 $0xE00;
	[dreg:$0x1f] =	wrdreg s23  }
0x1c: {  	s8 =	sshll.u32 s4, $0x5;
	s26 =	simm.s32 $0xE80;
	[smem:$0x7F9] =	sst s25  }
0x1d: {  	s4 =	ssub.s32 $0x2, s4;
	s29 =	simm.s32 $0xF00;
	[smem:$0x7FA] =	sst s26  }
0x1e: {  	s30 =	simm.s32 $0xF80;
	s31 =	simm.s32 $0x1000;
	[smem:$0x7FB] =	sst s29  }
0x1f: {  	s7 =	sor.u32 s8, s7;
	s24 =	sshrl.u32 s4, $0x1;
	[smem:$0x7FC] =	sst s30  }
0x20: {  	[smem:$0x7FD] =	sst s31;
	s8 =	sshll.u32 s7, $0x4;
	s7 =	sshrl.u32 s7, $0x3  }
0x21: {  	s4 =	ssub.s32 s4, s24;
	s6 =	sadd.s32 s8, s6;
	s5 =	sadd.s32 s5, s7  }
0x22: {  	s7 =	simm.s32 $0x580;
	s28 =	smax.u32 s4, $0x1;
	[dreg:$0x4] =	wrdreg s5  }
0x23: {  	s8 =	simm.s32 $0x600;
	[dreg:$0xf] =	wrdreg s7;
	p1 =	sne.s32 s28, $0x1  }
.Ltmp0:
0x24: {  	s22 =	sadd.s32 $0x600, s6;
	[dreg:$0x10] =	wrdreg s8;
	(pc) =	sbr.rel @!p1 .LBB2_3-.Ltmp0, $4  }
0x25: {  	s6 =	simm.s32 $0x500;
	[dreg:$0x5] =	wrdreg s22  }
0x26: {  	p0 =	por $0x0, $0x0;
	s4 =	simm.s32 $0x2;
	[dreg:$0xe] =	wrdreg s6  }
0x27: {  	s5 =	simm.s32 $0x80;
	s22 =	simm.s32 $0xD00;
	s8 =	rddreg [dreg:$0x4]  }
0x28: {  	s7 =	sadd.s32 $0xFFFFFFFF, s28;
	s6 =	simm.s32 $0x1;
	[dreg:$0x1e] =	wrdreg s22  }
0x29: {  	[tilespmem:s3], [sflag:$0x2] =	stream.linear.gather [hbm4b:s8+s3], $0x20, $0x38;
	[tilespmem:$0x1080] =	vst v63  }
0x2a: {  	_ =	swait.ge [sflag:s4], $0x20  }
0x2b: {  	[sflag:s4] =	ssyncset.done $0x0  }
0x2c: {  	[sflag:s4] =	ssyncadd.s32 $0xFFFFFFE0  }
0x2d: {  	v0 =	vld [tilespmem:$0x0];
	_ =	sdelay $0x4  }
0x2e: {  	v0 =	vshll.u32 v0, $0x4  }
0x2f: {  	(v2sf) =	vpush v0, $0x0  }
0x30: {  	(v2sf) =	vpush v0, $0x1  }
0x31: {  	(v2sf) =	vpush v0, $0x2;
	_ =	sdelay $0x1  }
0x32: {  	s9 =	rddreg [dreg:$0x12];
	(v2sf) =	vpush v0, $0x3  }
0x33: {  	s10 =	rddreg [dreg:$0x11]  }
0x34: {  	s11 =	rddreg [dreg:$0x10];
	(v2sf) =	vpush v0, $0x4  }
0x35: {  	s12 =	rddreg [dreg:$0xf]  }
0x36: {  	s13 =	rddreg [dreg:$0xe];
	(v2sf) =	vpush v0, $0x5  }
0x37: {  	s14 =	rddreg [dreg:$0xd]  }
0x38: {  	s15 =	rddreg [dreg:$0xc];
	(v2sf) =	vpush v0, $0x6  }
0x39: {  	s16 =	rddreg [dreg:$0xb]  }
0x3a: {  	s17 =	rddreg [dreg:$0xa];
	(v2sf) =	vpush v0, $0x7  }
0x3b: {  	s18 =	rddreg [dreg:$0x9]  }
0x3c: {  	s19 =	rddreg [dreg:$0x8];
	(v2sf) =	vpush v0, $0x8  }
0x3d: {  	s20 =	rddreg [dreg:$0x7];
	s21 =	spop (v2sf)  }
0x3e: {  	s22 =	rddreg [dreg:$0x6];
	s21 =	sand.u32 $0x1FFFFFF0, s21;
	s23 =	spop (v2sf);
	(v2sf) =	vpush v0, $0x9  }
0x3f: {  	s21 =	sadd.s32 s2, s21;
	s23 =	sand.u32 $0x1FFFFFF0, s23;
	s24 =	spop (v2sf)  }
0x40: {  	(v2sf) =	vpush v0, $0xA;
	[tilespmem:s5], [sflag:$0x1] =	stream.linear.gather [hbm4b:s21+s3], $0x80, $0x38;
	[tilespmem:$0x1080] =	vst v63  }
0x41: {  	s29 =	sadd.s32 s2, s23;
	s30 =	sand.u32 $0x1FFFFFF0, s24;
	s31 =	spop (v2sf)  }
0x42: {  	(v2sf) =	vpush v0, $0xB;
	[tilespmem:s22], [sflag:$0x1] =	stream.linear.gather [hbm4b:s29+s3], $0x80, $0x38;
	[tilespmem:$0x1080] =	vst v63  }
0x43: {  	s25 =	sadd.s32 s2, s30;
	s26 =	sand.u32 $0x1FFFFFF0, s31;
	s28 =	spop (v2sf)  }
0x44: {  	(v2sf) =	vpush v0, $0xC;
	[tilespmem:s20], [sflag:$0x1] =	stream.linear.gather [hbm4b:s25+s3], $0x80, $0x38;
	[tilespmem:$0x1080] =	vst v63  }
0x45: {  	s29 =	sadd.s32 s2, s26;
	s30 =	sand.u32 $0x1FFFFFF0, s28;
	s31 =	spop (v2sf)  }
0x46: {  	(v2sf) =	vpush v0, $0xD;
	[tilespmem:s19], [sflag:$0x1] =	stream.linear.gather [hbm4b:s29+s3], $0x80, $0x38;
	[tilespmem:$0x1080] =	vst v63  }
0x47: {  	s21 =	sadd.s32 s2, s30;
	s23 =	sand.u32 $0x1FFFFFF0, s31;
	s24 =	spop (v2sf)  }
0x48: {  	(v2sf) =	vpush v0, $0xE;
	[tilespmem:s18], [sflag:$0x1] =	stream.linear.gather [hbm4b:s21+s3], $0x80, $0x38;
	[tilespmem:$0x1080] =	vst v63  }
0x49: {  	s25 =	sadd.s32 s2, s23;
	s26 =	sand.u32 $0x1FFFFFF0, s24;
	s28 =	spop (v2sf)  }
0x4a: {  	(v2sf) =	vpush v0, $0xF;
	[tilespmem:s17], [sflag:$0x1] =	stream.linear.gather [hbm4b:s25+s3], $0x80, $0x38;
	[tilespmem:$0x1080] =	vst v63  }
0x4b: {  	s30 =	sand.u32 $0x1FFFFFF0, s28;
	s31 =	spop (v2sf);
	s29 =	sadd.s32 s2, s26  }
0x4c: {  	[tilespmem:s16], [sflag:$0x1] =	stream.linear.gather [hbm4b:s29+s3], $0x80, $0x38;
	[tilespmem:$0x1080] =	vst v63  }
0x4d: {  	s20 =	sand.u32 $0x1FFFFFF0, s31;
	s18 =	sadd.s32 s2, s30;
	s21 =	spop (v2sf)  }
0x4e: {  	[tilespmem:s15], [sflag:$0x1] =	stream.linear.gather [hbm4b:s18+s3], $0x80, $0x38;
	[tilespmem:$0x1080] =	vst v63  }
0x4f: {  	s22 =	sadd.s32 s2, s20;
	s23 =	sand.u32 $0x1FFFFFF0, s21;
	s24 =	spop (v2sf)  }
0x50: {  	[tilespmem:s14], [sflag:$0x1] =	stream.linear.gather [hbm4b:s22+s3], $0x80, $0x38;
	[tilespmem:$0x1080] =	vst v63  }
0x51: {  	s25 =	sadd.s32 s2, s23;
	s26 =	sand.u32 $0x1FFFFFF0, s24;
	s28 =	spop (v2sf)  }
0x52: {  	[tilespmem:s13], [sflag:$0x1] =	stream.linear.gather [hbm4b:s25+s3], $0x80, $0x38;
	[tilespmem:$0x1080] =	vst v63  }
0x53: {  	s29 =	sadd.s32 s2, s26;
	s30 =	sand.u32 $0x1FFFFFF0, s28;
	s31 =	spop (v2sf)  }
0x54: {  	[tilespmem:s12], [sflag:$0x1] =	stream.linear.gather [hbm4b:s29+s3], $0x80, $0x38;
	[tilespmem:$0x1080] =	vst v63  }
0x55: {  	s14 =	sadd.s32 s2, s30;
	s15 =	sand.u32 $0x1FFFFFF0, s31;
	s16 =	spop (v2sf)  }
0x56: {  	[tilespmem:s11], [sflag:$0x1] =	stream.linear.gather [hbm4b:s14+s3], $0x80, $0x38;
	[tilespmem:$0x1080] =	vst v63  }
0x57: {  	s17 =	sadd.s32 s2, s15;
	s18 =	sand.u32 $0x1FFFFFF0, s16;
	s19 =	spop (v2sf)  }
0x58: {  	[tilespmem:s10], [sflag:$0x1] =	stream.linear.gather [hbm4b:s17+s3], $0x80, $0x38;
	[tilespmem:$0x1080] =	vst v63  }
0x59: {  	s20 =	sadd.s32 s2, s18;
	s21 =	sand.u32 $0x1FFFFFF0, s19;
	s22 =	spop (v2sf)  }
0x5a: {  	[tilespmem:s9], [sflag:$0x1] =	stream.linear.gather [hbm4b:s20+s3], $0x80, $0x38;
	[tilespmem:$0x1080] =	vst v63  }
0x5b: {  	s8 =	rddreg [dreg:$0x13];
	s23 =	sadd.s32 s2, s21;
	s24 =	sand.u32 $0x1FFFFFF0, s22  }
0x5c: {  	[tilespmem:s8], [sflag:$0x1] =	stream.linear.gather [hbm4b:s23+s3], $0x80, $0x38;
	[tilespmem:$0x1080] =	vst v63  }
0x5d: {  	s25 =	rddreg [dreg:$0x14];
	s26 =	sadd.s32 s2, s24  }
0x5e: {  	[tilespmem:s25], [sflag:$0x1] =	stream.linear.gather [hbm4b:s26+s3], $0x80, $0x38;
	[tilespmem:$0x1080] =	vst v63  }
0x5f: {  	v63 =	vld [tilespmem:$0x10];
	_ =	sdelay $0x4  }
0x60: {  	v0 =	vshll.u32 v63, $0x4  }
0x61: {  	(v2sf) =	vpush v0, $0x0  }
0x62: {  	(v2sf) =	vpush v0, $0x1  }
0x63: {  	s28 =	rddreg [dreg:$0x15];
	(v2sf) =	vpush v0, $0x2  }
0x64: {  	s30 =	rddreg [dreg:$0x16]  }
0x65: {  	s13 =	rddreg [dreg:$0x1e];
	(v2sf) =	vpush v0, $0x3  }
0x66: {  	s15 =	rddreg [dreg:$0x1c]  }
0x67: {  	s16 =	rddreg [dreg:$0x1b];
	(v2sf) =	vpush v0, $0x4  }
0x68: {  	s18 =	rddreg [dreg:$0x19]  }
0x69: {  	s19 =	rddreg [dreg:$0x18];
	(v2sf) =	vpush v0, $0x5  }
0x6a: {  	s12 =	rddreg [dreg:$0x1f]  }
0x6b: {  	s11 =	sld [smem:$0x7F9];
	(v2sf) =	vpush v0, $0x6  }
0x6c: {  	s14 =	rddreg [dreg:$0x1d]  }
0x6d: {  	s10 =	sld [smem:$0x7FA];
	(v2sf) =	vpush v0, $0x7  }
0x6e: {  	s17 =	rddreg [dreg:$0x1a]  }
0x6f: {  	s9 =	sld [smem:$0x7FB];
	(v2sf) =	vpush v0, $0x8  }
0x70: {  	s20 =	rddreg [dreg:$0x17];
	s29 =	spop (v2sf)  }
0x71: {  	s8 =	sld [smem:$0x7FC];
	(v2sf) =	vpush v0, $0x9;
	s22 =	sand.u32 $0x1FFFFFF0, s29;
	s31 =	spop (v2sf)  }
0x72: {  	s22 =	sadd.s32 s2, s22;
	s24 =	sand.u32 $0x1FFFFFF0, s31;
	s25 =	spop (v2sf)  }
0x73: {  	(v2sf) =	vpush v0, $0xA;
	[tilespmem:s28], [sflag:$0x1] =	stream.linear.gather [hbm4b:s22+s3], $0x80, $0x38;
	[tilespmem:$0x1080] =	vst v63  }
0x74: {  	s24 =	sadd.s32 s2, s24;
	s26 =	sand.u32 $0x1FFFFFF0, s25;
	s28 =	spop (v2sf)  }
0x75: {  	(v2sf) =	vpush v0, $0xB;
	[tilespmem:s30], [sflag:$0x1] =	stream.linear.gather [hbm4b:s24+s3], $0x80, $0x38;
	[tilespmem:$0x1080] =	vst v63  }
0x76: {  	s29 =	sadd.s32 s2, s26;
	s31 =	spop (v2sf);
	s30 =	sand.u32 $0x1FFFFFF0, s28  }
0x77: {  	(v2sf) =	vpush v0, $0xC;
	[tilespmem:s20], [sflag:$0x1] =	stream.linear.gather [hbm4b:s29+s3], $0x80, $0x38;
	[tilespmem:$0x1080] =	vst v63  }
0x78: {  	s23 =	sand.u32 $0x1FFFFFF0, s31;
	s24 =	spop (v2sf);
	s22 =	sadd.s32 s2, s30  }
0x79: {  	(v2sf) =	vpush v0, $0xD;
	[tilespmem:s19], [sflag:$0x1] =	stream.linear.gather [hbm4b:s22+s3], $0x80, $0x38;
	[tilespmem:$0x1080] =	vst v63  }
0x7a: {  	s25 =	sadd.s32 s2, s23;
	s26 =	sand.u32 $0x1FFFFFF0, s24;
	s28 =	spop (v2sf)  }
0x7b: {  	(v2sf) =	vpush v0, $0xE;
	[tilespmem:s18], [sflag:$0x1] =	stream.linear.gather [hbm4b:s25+s3], $0x80, $0x38;
	[tilespmem:$0x1080] =	vst v63  }
0x7c: {  	s29 =	sadd.s32 s2, s26;
	s30 =	sand.u32 $0x1FFFFFF0, s28;
	s31 =	spop (v2sf)  }
0x7d: {  	(v2sf) =	vpush v0, $0xF;
	[tilespmem:s17], [sflag:$0x1] =	stream.linear.gather [hbm4b:s29+s3], $0x80, $0x38;
	[tilespmem:$0x1080] =	vst v63  }
0x7e: {  	s20 =	sand.u32 $0x1FFFFFF0, s31;
	s21 =	spop (v2sf);
	s19 =	sadd.s32 s2, s30  }
0x7f: {  	[tilespmem:s16], [sflag:$0x1] =	stream.linear.gather [hbm4b:s19+s3], $0x80, $0x38;
	[tilespmem:$0x1080] =	vst v63  }
0x80: {  	s22 =	sadd.s32 s2, s20;
	s23 =	sand.u32 $0x1FFFFFF0, s21;
	s24 =	spop (v2sf)  }
0x81: {  	[tilespmem:s15], [sflag:$0x1] =	stream.linear.gather [hbm4b:s22+s3], $0x80, $0x38;
	[tilespmem:$0x1080] =	vst v63  }
0x82: {  	s25 =	sadd.s32 s2, s23;
	s26 =	sand.u32 $0x1FFFFFF0, s24;
	s28 =	spop (v2sf)  }
0x83: {  	[tilespmem:s14], [sflag:$0x1] =	stream.linear.gather [hbm4b:s25+s3], $0x80, $0x38;
	[tilespmem:$0x1080] =	vst v63  }
0x84: {  	s29 =	sadd.s32 s2, s26;
	s30 =	sand.u32 $0x1FFFFFF0, s28;
	s31 =	spop (v2sf)  }
0x85: {  	[tilespmem:s13], [sflag:$0x1] =	stream.linear.gather [hbm4b:s29+s3], $0x80, $0x38;
	[tilespmem:$0x1080] =	vst v63  }
0x86: {  	s15 =	sand.u32 $0x1FFFFFF0, s31;
	s16 =	spop (v2sf);
	s14 =	sadd.s32 s2, s30  }
0x87: {  	[tilespmem:s12], [sflag:$0x1] =	stream.linear.gather [hbm4b:s14+s3], $0x80, $0x38;
	[tilespmem:$0x1080] =	vst v63  }
0x88: {  	s17 =	sadd.s32 s2, s15;
	s18 =	sand.u32 $0x1FFFFFF0, s16;
	s19 =	spop (v2sf)  }
0x89: {  	[tilespmem:s11], [sflag:$0x1] =	stream.linear.gather [hbm4b:s17+s3], $0x80, $0x38;
	[tilespmem:$0x1080] =	vst v63  }
0x8a: {  	s20 =	sadd.s32 s2, s18;
	s21 =	sand.u32 $0x1FFFFFF0, s19;
	s22 =	spop (v2sf)  }
0x8b: {  	[tilespmem:s10], [sflag:$0x1] =	stream.linear.gather [hbm4b:s20+s3], $0x80, $0x38;
	[tilespmem:$0x1080] =	vst v63  }
0x8c: {  	s23 =	sadd.s32 s2, s21;
	s24 =	sand.u32 $0x1FFFFFF0, s22;
	s25 =	spop (v2sf)  }
0x8d: {  	[tilespmem:s9], [sflag:$0x1] =	stream.linear.gather [hbm4b:s23+s3], $0x80, $0x38;
	[tilespmem:$0x1080] =	vst v63  }
0x8e: {  	s29 =	sld [smem:$0x7FD];
	s26 =	sadd.s32 s2, s24;
	s28 =	sand.u32 $0x1FFFFFF0, s25  }
0x8f: {  	[tilespmem:s8], [sflag:$0x1] =	stream.linear.gather [hbm4b:s26+s3], $0x80, $0x38;
	[tilespmem:$0x1080] =	vst v63  }
0x90: {  	s30 =	sadd.s32 s2, s28  }
0x91: {  	[tilespmem:s29], [sflag:$0x1] =	stream.linear.gather [hbm4b:s30+s3], $0x80, $0x38;
	[tilespmem:$0x1080] =	vst v63  }
0x92: {  	p1 =	sne.s32 s7, $0x1;
	_ =	swait.ge [sflag:s6], $0x1000  }
.Ltmp1:
0x93: {  	[sflag:s6] =	ssyncset.done $0x0;
	(pc) =	sbr.rel @!p1 .LBB2_3-.Ltmp1, $4  }
0x94: {  	s31 =	rddreg [dreg:$0x5];
	[sflag:s6] =	ssyncadd.s32 $0xFFFFF000  }
0x95: {  	[hbm4b:s31+s3] =	stream.linear.scatter [tilespmem:s5], [sflag:$0x2], $0x1000, $0x38;
	[tilespmem:$0x1080] =	vst v63  }
0x96: {  	s7 =	sadd.s32 $0xFFFFFFFF, s7;
	_ =	swait.ge [sflag:s4], $0x1000  }
0x97: {  	p0 =	por $0x1, $0x1;
	s8 =	rddreg [dreg:$0x4];
	[sflag:s4] =	ssyncset.done $0x0  }
.LBB2_2:
0x98: {  	[sflag:s4] =	ssyncadd.s32 $0xFFFFF000  }
0x99: {  	[tilespmem:s3], [sflag:$0x2] =	stream.linear.gather [hbm4b:s8+s3], $0x20, $0x38;
	[tilespmem:$0x1080] =	vst v63  }
0x9a: {  	_ =	swait.ge [sflag:s4], $0x20  }
0x9b: {  	[sflag:s4] =	ssyncset.done $0x0  }
0x9c: {  	[sflag:s4] =	ssyncadd.s32 $0xFFFFFFE0  }
0x9d: {  	v0 =	vld [tilespmem:$0x0];
	_ =	sdelay $0x4  }
0x9e: {  	v0 =	vshll.u32 v0, $0x4  }
0x9f: {  	(v2sf) =	vpush v0, $0x0  }
0xa0: {  	(v2sf) =	vpush v0, $0x1  }
0xa1: {  	(v2sf) =	vpush v0, $0x2;
	_ =	sdelay $0x1  }
0xa2: {  	s9 =	rddreg [dreg:$0x12];
	(v2sf) =	vpush v0, $0x3  }
0xa3: {  	s10 =	rddreg [dreg:$0x11]  }
0xa4: {  	s11 =	rddreg [dreg:$0x10];
	(v2sf) =	vpush v0, $0x4  }
0xa5: {  	s12 =	rddreg [dreg:$0xf]  }
0xa6: {  	s13 =	rddreg [dreg:$0xe];
	(v2sf) =	vpush v0, $0x5  }
0xa7: {  	s14 =	rddreg [dreg:$0xd]  }
0xa8: {  	s15 =	rddreg [dreg:$0xc];
	(v2sf) =	vpush v0, $0x6  }
0xa9: {  	s16 =	rddreg [dreg:$0xb]  }
0xaa: {  	s17 =	rddreg [dreg:$0xa];
	(v2sf) =	vpush v0, $0x7  }
0xab: {  	s18 =	rddreg [dreg:$0x9]  }
0xac: {  	s19 =	rddreg [dreg:$0x8];
	(v2sf) =	vpush v0, $0x8  }
0xad: {  	s20 =	rddreg [dreg:$0x7];
	s21 =	spop (v2sf)  }
0xae: {  	s22 =	rddreg [dreg:$0x6];
	s21 =	sand.u32 $0x1FFFFFF0, s21;
	s23 =	spop (v2sf);
	(v2sf) =	vpush v0, $0x9  }
0xaf: {  	s21 =	sadd.s32 s2, s21;
	s23 =	sand.u32 $0x1FFFFFF0, s23;
	s24 =	spop (v2sf)  }
0xb0: {  	(v2sf) =	vpush v0, $0xA;
	[tilespmem:s5], [sflag:$0x1] =	stream.linear.gather [hbm4b:s21+s3], $0x80, $0x38;
	[tilespmem:$0x1080] =	vst v63  }
0xb1: {  	s29 =	sadd.s32 s2, s23;
	s30 =	sand.u32 $0x1FFFFFF0, s24;
	s31 =	spop (v2sf)  }
0xb2: {  	(v2sf) =	vpush v0, $0xB;
	[tilespmem:s22], [sflag:$0x1] =	stream.linear.gather [hbm4b:s29+s3], $0x80, $0x38;
	[tilespmem:$0x1080] =	vst v63  }
0xb3: {  	s25 =	sadd.s32 s2, s30;
	s26 =	sand.u32 $0x1FFFFFF0, s31;
	s28 =	spop (v2sf)  }
0xb4: {  	(v2sf) =	vpush v0, $0xC;
	[tilespmem:s20], [sflag:$0x1] =	stream.linear.gather [hbm4b:s25+s3], $0x80, $0x38;
	[tilespmem:$0x1080] =	vst v63  }
0xb5: {  	s29 =	sadd.s32 s2, s26;
	s30 =	sand.u32 $0x1FFFFFF0, s28;
	s31 =	spop (v2sf)  }
0xb6: {  	(v2sf) =	vpush v0, $0xD;
	[tilespmem:s19], [sflag:$0x1] =	stream.linear.gather [hbm4b:s29+s3], $0x80, $0x38;
	[tilespmem:$0x1080] =	vst v63  }
0xb7: {  	s21 =	sadd.s32 s2, s30;
	s23 =	sand.u32 $0x1FFFFFF0, s31;
	s24 =	spop (v2sf)  }
0xb8: {  	(v2sf) =	vpush v0, $0xE;
	[tilespmem:s18], [sflag:$0x1] =	stream.linear.gather [hbm4b:s21+s3], $0x80, $0x38;
	[tilespmem:$0x1080] =	vst v63  }
0xb9: {  	s25 =	sadd.s32 s2, s23;
	s26 =	sand.u32 $0x1FFFFFF0, s24;
	s28 =	spop (v2sf)  }
0xba: {  	(v2sf) =	vpush v0, $0xF;
	[tilespmem:s17], [sflag:$0x1] =	stream.linear.gather [hbm4b:s25+s3], $0x80, $0x38;
	[tilespmem:$0x1080] =	vst v63  }
0xbb: {  	s30 =	sand.u32 $0x1FFFFFF0, s28;
	s31 =	spop (v2sf);
	s29 =	sadd.s32 s2, s26  }
0xbc: {  	[tilespmem:s16], [sflag:$0x1] =	stream.linear.gather [hbm4b:s29+s3], $0x80, $0x38;
	[tilespmem:$0x1080] =	vst v63  }
0xbd: {  	s20 =	sand.u32 $0x1FFFFFF0, s31;
	s18 =	sadd.s32 s2, s30;
	s21 =	spop (v2sf)  }
0xbe: {  	[tilespmem:s15], [sflag:$0x1] =	stream.linear.gather [hbm4b:s18+s3], $0x80, $0x38;
	[tilespmem:$0x1080] =	vst v63  }
0xbf: {  	s22 =	sadd.s32 s2, s20;
	s23 =	sand.u32 $0x1FFFFFF0, s21;
	s24 =	spop (v2sf)  }
0xc0: {  	[tilespmem:s14], [sflag:$0x1] =	stream.linear.gather [hbm4b:s22+s3], $0x80, $0x38;
	[tilespmem:$0x1080] =	vst v63  }
0xc1: {  	s25 =	sadd.s32 s2, s23;
	s26 =	sand.u32 $0x1FFFFFF0, s24;
	s28 =	spop (v2sf)  }
0xc2: {  	[tilespmem:s13], [sflag:$0x1] =	stream.linear.gather [hbm4b:s25+s3], $0x80, $0x38;
	[tilespmem:$0x1080] =	vst v63  }
0xc3: {  	s29 =	sadd.s32 s2, s26;
	s30 =	sand.u32 $0x1FFFFFF0, s28;
	s31 =	spop (v2sf)  }
0xc4: {  	[tilespmem:s12], [sflag:$0x1] =	stream.linear.gather [hbm4b:s29+s3], $0x80, $0x38;
	[tilespmem:$0x1080] =	vst v63  }
0xc5: {  	s14 =	sadd.s32 s2, s30;
	s15 =	sand.u32 $0x1FFFFFF0, s31;
	s16 =	spop (v2sf)  }
0xc6: {  	[tilespmem:s11], [sflag:$0x1] =	stream.linear.gather [hbm4b:s14+s3], $0x80, $0x38;
	[tilespmem:$0x1080] =	vst v63  }
0xc7: {  	s17 =	sadd.s32 s2, s15;
	s18 =	sand.u32 $0x1FFFFFF0, s16;
	s19 =	spop (v2sf)  }
0xc8: {  	[tilespmem:s10], [sflag:$0x1] =	stream.linear.gather [hbm4b:s17+s3], $0x80, $0x38;
	[tilespmem:$0x1080] =	vst v63  }
0xc9: {  	s20 =	sadd.s32 s2, s18;
	s21 =	sand.u32 $0x1FFFFFF0, s19;
	s22 =	spop (v2sf)  }
0xca: {  	[tilespmem:s9], [sflag:$0x1] =	stream.linear.gather [hbm4b:s20+s3], $0x80, $0x38;
	[tilespmem:$0x1080] =	vst v63  }
0xcb: {  	s8 =	rddreg [dreg:$0x13];
	s23 =	sadd.s32 s2, s21;
	s24 =	sand.u32 $0x1FFFFFF0, s22  }
0xcc: {  	[tilespmem:s8], [sflag:$0x1] =	stream.linear.gather [hbm4b:s23+s3], $0x80, $0x38;
	[tilespmem:$0x1080] =	vst v63  }
0xcd: {  	s25 =	rddreg [dreg:$0x14];
	s26 =	sadd.s32 s2, s24  }
0xce: {  	[tilespmem:s25], [sflag:$0x1] =	stream.linear.gather [hbm4b:s26+s3], $0x80, $0x38;
	[tilespmem:$0x1080] =	vst v63  }
0xcf: {  	v63 =	vld [tilespmem:$0x10];
	_ =	sdelay $0x4  }
0xd0: {  	v0 =	vshll.u32 v63, $0x4  }
0xd1: {  	(v2sf) =	vpush v0, $0x0  }
0xd2: {  	(v2sf) =	vpush v0, $0x1  }
0xd3: {  	s28 =	rddreg [dreg:$0x15];
	(v2sf) =	vpush v0, $0x2  }
0xd4: {  	s30 =	rddreg [dreg:$0x16]  }
0xd5: {  	s13 =	rddreg [dreg:$0x1e];
	(v2sf) =	vpush v0, $0x3  }
0xd6: {  	s15 =	rddreg [dreg:$0x1c]  }
0xd7: {  	s16 =	rddreg [dreg:$0x1b];
	(v2sf) =	vpush v0, $0x4  }
0xd8: {  	s18 =	rddreg [dreg:$0x19]  }
0xd9: {  	s19 =	rddreg [dreg:$0x18];
	(v2sf) =	vpush v0, $0x5  }
0xda: {  	s12 =	rddreg [dreg:$0x1f]  }
0xdb: {  	s11 =	sld [smem:$0x7F9];
	(v2sf) =	vpush v0, $0x6  }
0xdc: {  	s14 =	rddreg [dreg:$0x1d]  }
0xdd: {  	s10 =	sld [smem:$0x7FA];
	(v2sf) =	vpush v0, $0x7  }
0xde: {  	s17 =	rddreg [dreg:$0x1a]  }
0xdf: {  	s9 =	sld [smem:$0x7FB];
	(v2sf) =	vpush v0, $0x8  }
0xe0: {  	s20 =	rddreg [dreg:$0x17];
	s29 =	spop (v2sf)  }
0xe1: {  	s8 =	sld [smem:$0x7FC];
	s22 =	sand.u32 $0x1FFFFFF0, s29;
	s31 =	spop (v2sf);
	(v2sf) =	vpush v0, $0x9  }
0xe2: {  	s22 =	sadd.s32 s2, s22;
	s24 =	sand.u32 $0x1FFFFFF0, s31;
	s25 =	spop (v2sf)  }
0xe3: {  	(v2sf) =	vpush v0, $0xA;
	[tilespmem:s28], [sflag:$0x1] =	stream.linear.gather [hbm4b:s22+s3], $0x80, $0x38;
	[tilespmem:$0x1080] =	vst v63  }
0xe4: {  	s24 =	sadd.s32 s2, s24;
	s26 =	sand.u32 $0x1FFFFFF0, s25;
	s28 =	spop (v2sf)  }
0xe5: {  	(v2sf) =	vpush v0, $0xB;
	[tilespmem:s30], [sflag:$0x1] =	stream.linear.gather [hbm4b:s24+s3], $0x80, $0x38;
	[tilespmem:$0x1080] =	vst v63  }
0xe6: {  	s29 =	sadd.s32 s2, s26;
	s31 =	spop (v2sf);
	s30 =	sand.u32 $0x1FFFFFF0, s28  }
0xe7: {  	(v2sf) =	vpush v0, $0xC;
	[tilespmem:s20], [sflag:$0x1] =	stream.linear.gather [hbm4b:s29+s3], $0x80, $0x38;
	[tilespmem:$0x1080] =	vst v63  }
0xe8: {  	s23 =	sand.u32 $0x1FFFFFF0, s31;
	s24 =	spop (v2sf);
	s22 =	sadd.s32 s2, s30  }
0xe9: {  	(v2sf) =	vpush v0, $0xD;
	[tilespmem:s19], [sflag:$0x1] =	stream.linear.gather [hbm4b:s22+s3], $0x80, $0x38;
	[tilespmem:$0x1080] =	vst v63  }
0xea: {  	s25 =	sadd.s32 s2, s23;
	s26 =	sand.u32 $0x1FFFFFF0, s24;
	s28 =	spop (v2sf)  }
0xeb: {  	(v2sf) =	vpush v0, $0xE;
	[tilespmem:s18], [sflag:$0x1] =	stream.linear.gather [hbm4b:s25+s3], $0x80, $0x38;
	[tilespmem:$0x1080] =	vst v63  }
0xec: {  	s29 =	sadd.s32 s2, s26;
	s30 =	sand.u32 $0x1FFFFFF0, s28;
	s31 =	spop (v2sf)  }
0xed: {  	(v2sf) =	vpush v0, $0xF;
	[tilespmem:s17], [sflag:$0x1] =	stream.linear.gather [hbm4b:s29+s3], $0x80, $0x38;
	[tilespmem:$0x1080] =	vst v63  }
0xee: {  	s20 =	sand.u32 $0x1FFFFFF0, s31;
	s21 =	spop (v2sf);
	s19 =	sadd.s32 s2, s30  }
0xef: {  	[tilespmem:s16], [sflag:$0x1] =	stream.linear.gather [hbm4b:s19+s3], $0x80, $0x38;
	[tilespmem:$0x1080] =	vst v63  }
0xf0: {  	s22 =	sadd.s32 s2, s20;
	s23 =	sand.u32 $0x1FFFFFF0, s21;
	s24 =	spop (v2sf)  }
0xf1: {  	[tilespmem:s15], [sflag:$0x1] =	stream.linear.gather [hbm4b:s22+s3], $0x80, $0x38;
	[tilespmem:$0x1080] =	vst v63  }
0xf2: {  	s25 =	sadd.s32 s2, s23;
	s26 =	sand.u32 $0x1FFFFFF0, s24;
	s28 =	spop (v2sf)  }
0xf3: {  	[tilespmem:s14], [sflag:$0x1] =	stream.linear.gather [hbm4b:s25+s3], $0x80, $0x38;
	[tilespmem:$0x1080] =	vst v63  }
0xf4: {  	s29 =	sadd.s32 s2, s26;
	s30 =	sand.u32 $0x1FFFFFF0, s28;
	s31 =	spop (v2sf)  }
0xf5: {  	[tilespmem:s13], [sflag:$0x1] =	stream.linear.gather [hbm4b:s29+s3], $0x80, $0x38;
	[tilespmem:$0x1080] =	vst v63  }
0xf6: {  	s14 =	sadd.s32 s2, s30;
	s15 =	sand.u32 $0x1FFFFFF0, s31;
	s16 =	spop (v2sf)  }
0xf7: {  	[tilespmem:s12], [sflag:$0x1] =	stream.linear.gather [hbm4b:s14+s3], $0x80, $0x38;
	[tilespmem:$0x1080] =	vst v63  }
0xf8: {  	s17 =	sadd.s32 s2, s15;
	s18 =	sand.u32 $0x1FFFFFF0, s16;
	s19 =	spop (v2sf)  }
0xf9: {  	[tilespmem:s11], [sflag:$0x1] =	stream.linear.gather [hbm4b:s17+s3], $0x80, $0x38;
	[tilespmem:$0x1080] =	vst v63  }
0xfa: {  	s20 =	sadd.s32 s2, s18;
	s21 =	sand.u32 $0x1FFFFFF0, s19;
	s22 =	spop (v2sf)  }
0xfb: {  	[tilespmem:s10], [sflag:$0x1] =	stream.linear.gather [hbm4b:s20+s3], $0x80, $0x38;
	[tilespmem:$0x1080] =	vst v63  }
0xfc: {  	s23 =	sadd.s32 s2, s21;
	s24 =	sand.u32 $0x1FFFFFF0, s22;
	s25 =	spop (v2sf)  }
0xfd: {  	[tilespmem:s9], [sflag:$0x1] =	stream.linear.gather [hbm4b:s23+s3], $0x80, $0x38;
	[tilespmem:$0x1080] =	vst v63  }
0xfe: {  	s29 =	sld [smem:$0x7FD];
	s26 =	sadd.s32 s2, s24;
	s28 =	sand.u32 $0x1FFFFFF0, s25  }
0xff: {  	[tilespmem:s8], [sflag:$0x1] =	stream.linear.gather [hbm4b:s26+s3], $0x80, $0x38;
	[tilespmem:$0x1080] =	vst v63  }
0x100: {  	s30 =	sadd.s32 s2, s28  }
0x101: {  	[tilespmem:s29], [sflag:$0x1] =	stream.linear.gather [hbm4b:s30+s3], $0x80, $0x38;
	[tilespmem:$0x1080] =	vst v63  }
0x102: {  	p1 =	sne.s32 s7, $0x1;
	_ =	swait.ge [sflag:s6], $0x1000  }
.Ltmp2:
0x103: {  	[sflag:s6] =	ssyncset.done $0x0;
	(pc) =	sbr.rel @p1 .LBB2_2-.Ltmp2, $4  }
0x104: {  	s31 =	rddreg [dreg:$0x5];
	[sflag:s6] =	ssyncadd.s32 $0xFFFFF000  }
0x105: {  	[hbm4b:s31+s3] =	stream.linear.scatter [tilespmem:s5], [sflag:$0x2], $0x1000, $0x38;
	[tilespmem:$0x1080] =	vst v63  }
0x106: {  	_ =	swait.ge [sflag:s4], $0x1000  }
0x107: {  	s7 =	sadd.s32 $0xFFFFFFFF, s7;
	s8 =	rddreg [dreg:$0x4];
	[sflag:s4] =	ssyncset.done $0x0  }
.LBB2_3:
0x108: {  	[sflag:s4] =	ssyncadd.s32 @p0 $0xFFFFF000  }
0x109: {  	[tilespmem:s3], [sflag:$0x2] =	stream.linear.gather [hbm4b:s8+s3], $0x20, $0x38;
	[tilespmem:$0x1080] =	vst v63  }
0x10a: {  	_ =	swait.ge [sflag:s4], $0x20  }
0x10b: {  	[sflag:s4] =	ssyncset.done $0x0  }
0x10c: {  	[sflag:s4] =	ssyncadd.s32 $0xFFFFFFE0  }
0x10d: {  	v0 =	vld [tilespmem:$0x0];
	_ =	sdelay $0x4  }
0x10e: {  	v0 =	vshll.u32 v0, $0x4  }
0x10f: {  	(v2sf) =	vpush v0, $0x0  }
0x110: {  	(v2sf) =	vpush v0, $0x1  }
0x111: {  	(v2sf) =	vpush v0, $0x2;
	_ =	sdelay $0x1  }
0x112: {  	s8 =	rddreg [dreg:$0x12];
	(v2sf) =	vpush v0, $0x3  }
0x113: {  	s9 =	rddreg [dreg:$0x11]  }
0x114: {  	s10 =	rddreg [dreg:$0x10];
	(v2sf) =	vpush v0, $0x4  }
0x115: {  	s11 =	rddreg [dreg:$0xf]  }
0x116: {  	s12 =	rddreg [dreg:$0xe];
	(v2sf) =	vpush v0, $0x5  }
0x117: {  	s13 =	rddreg [dreg:$0xd]  }
0x118: {  	s14 =	rddreg [dreg:$0xc];
	(v2sf) =	vpush v0, $0x6  }
0x119: {  	s15 =	rddreg [dreg:$0xb]  }
0x11a: {  	s16 =	rddreg [dreg:$0xa];
	(v2sf) =	vpush v0, $0x7  }
0x11b: {  	s17 =	rddreg [dreg:$0x9]  }
0x11c: {  	s18 =	rddreg [dreg:$0x8];
	(v2sf) =	vpush v0, $0x8  }
0x11d: {  	s19 =	rddreg [dreg:$0x7];
	s20 =	spop (v2sf)  }
0x11e: {  	s21 =	rddreg [dreg:$0x6];
	s20 =	sand.u32 $0x1FFFFFF0, s20;
	s22 =	spop (v2sf);
	(v2sf) =	vpush v0, $0x9  }
0x11f: {  	s20 =	sadd.s32 s2, s20;
	s22 =	sand.u32 $0x1FFFFFF0, s22;
	s23 =	spop (v2sf)  }
0x120: {  	(v2sf) =	vpush v0, $0xA;
	[tilespmem:s5], [sflag:$0x1] =	stream.linear.gather [hbm4b:s20+s3], $0x80, $0x38;
	[tilespmem:$0x1080] =	vst v63  }
0x121: {  	s22 =	sadd.s32 s2, s22;
	s23 =	sand.u32 $0x1FFFFFF0, s23;
	s24 =	spop (v2sf)  }
0x122: {  	(v2sf) =	vpush v0, $0xB;
	[tilespmem:s21], [sflag:$0x1] =	stream.linear.gather [hbm4b:s22+s3], $0x80, $0x38;
	[tilespmem:$0x1080] =	vst v63  }
0x123: {  	s25 =	sadd.s32 s2, s23;
	s26 =	sand.u32 $0x1FFFFFF0, s24;
	s28 =	spop (v2sf)  }
0x124: {  	(v2sf) =	vpush v0, $0xC;
	[tilespmem:s19], [sflag:$0x1] =	stream.linear.gather [hbm4b:s25+s3], $0x80, $0x38;
	[tilespmem:$0x1080] =	vst v63  }
0x125: {  	s29 =	sadd.s32 s2, s26;
	s30 =	sand.u32 $0x1FFFFFF0, s28;
	s31 =	spop (v2sf)  }
0x126: {  	(v2sf) =	vpush v0, $0xD;
	[tilespmem:s18], [sflag:$0x1] =	stream.linear.gather [hbm4b:s29+s3], $0x80, $0x38;
	[tilespmem:$0x1080] =	vst v63  }
0x127: {  	s22 =	sadd.s32 s2, s30;
	s23 =	sand.u32 $0x1FFFFFF0, s31;
	s24 =	spop (v2sf)  }
0x128: {  	(v2sf) =	vpush v0, $0xE;
	[tilespmem:s17], [sflag:$0x1] =	stream.linear.gather [hbm4b:s22+s3], $0x80, $0x38;
	[tilespmem:$0x1080] =	vst v63  }
0x129: {  	s25 =	sadd.s32 s2, s23;
	s26 =	sand.u32 $0x1FFFFFF0, s24;
	s28 =	spop (v2sf)  }
0x12a: {  	(v2sf) =	vpush v0, $0xF;
	[tilespmem:s16], [sflag:$0x1] =	stream.linear.gather [hbm4b:s25+s3], $0x80, $0x38;
	[tilespmem:$0x1080] =	vst v63  }
0x12b: {  	s30 =	sand.u32 $0x1FFFFFF0, s28;
	s31 =	spop (v2sf);
	s29 =	sadd.s32 s2, s26  }
0x12c: {  	[tilespmem:s15], [sflag:$0x1] =	stream.linear.gather [hbm4b:s29+s3], $0x80, $0x38;
	[tilespmem:$0x1080] =	vst v63  }
0x12d: {  	s19 =	sadd.s32 s2, s30;
	s20 =	sand.u32 $0x1FFFFFF0, s31;
	s21 =	spop (v2sf)  }
0x12e: {  	[tilespmem:s14], [sflag:$0x1] =	stream.linear.gather [hbm4b:s19+s3], $0x80, $0x38;
	[tilespmem:$0x1080] =	vst v63  }
0x12f: {  	s22 =	sadd.s32 s2, s20;
	s23 =	sand.u32 $0x1FFFFFF0, s21;
	s24 =	spop (v2sf)  }
0x130: {  	[tilespmem:s13], [sflag:$0x1] =	stream.linear.gather [hbm4b:s22+s3], $0x80, $0x38;
	[tilespmem:$0x1080] =	vst v63  }
0x131: {  	s25 =	sadd.s32 s2, s23;
	s26 =	sand.u32 $0x1FFFFFF0, s24;
	s28 =	spop (v2sf)  }
0x132: {  	[tilespmem:s12], [sflag:$0x1] =	stream.linear.gather [hbm4b:s25+s3], $0x80, $0x38;
	[tilespmem:$0x1080] =	vst v63  }
0x133: {  	s29 =	sadd.s32 s2, s26;
	s30 =	sand.u32 $0x1FFFFFF0, s28;
	s31 =	spop (v2sf)  }
0x134: {  	[tilespmem:s11], [sflag:$0x1] =	stream.linear.gather [hbm4b:s29+s3], $0x80, $0x38;
	[tilespmem:$0x1080] =	vst v63  }
0x135: {  	s15 =	sadd.s32 s2, s30;
	s16 =	sand.u32 $0x1FFFFFF0, s31;
	s17 =	spop (v2sf)  }
0x136: {  	[tilespmem:s10], [sflag:$0x1] =	stream.linear.gather [hbm4b:s15+s3], $0x80, $0x38;
	[tilespmem:$0x1080] =	vst v63  }
0x137: {  	s18 =	sadd.s32 s2, s16;
	s19 =	sand.u32 $0x1FFFFFF0, s17;
	s20 =	spop (v2sf)  }
0x138: {  	[tilespmem:s9], [sflag:$0x1] =	stream.linear.gather [hbm4b:s18+s3], $0x80, $0x38;
	[tilespmem:$0x1080] =	vst v63  }
0x139: {  	s21 =	sadd.s32 s2, s19;
	s22 =	sand.u32 $0x1FFFFFF0, s20;
	s23 =	spop (v2sf)  }
0x13a: {  	[tilespmem:s8], [sflag:$0x1] =	stream.linear.gather [hbm4b:s21+s3], $0x80, $0x38;
	[tilespmem:$0x1080] =	vst v63  }
0x13b: {  	s7 =	rddreg [dreg:$0x13];
	s24 =	sadd.s32 s2, s22;
	s25 =	sand.u32 $0x1FFFFFF0, s23  }
0x13c: {  	[tilespmem:s7], [sflag:$0x1] =	stream.linear.gather [hbm4b:s24+s3], $0x80, $0x38;
	[tilespmem:$0x1080] =	vst v63  }
0x13d: {  	s26 =	rddreg [dreg:$0x14];
	s28 =	sadd.s32 s2, s25  }
0x13e: {  	[tilespmem:s26], [sflag:$0x1] =	stream.linear.gather [hbm4b:s28+s3], $0x80, $0x38;
	[tilespmem:$0x1080] =	vst v63  }
0x13f: {  	v63 =	vld [tilespmem:$0x10];
	_ =	sdelay $0x4  }
0x140: {  	v0 =	vshll.u32 v63, $0x4  }
0x141: {  	(v2sf) =	vpush v0, $0x0  }
0x142: {  	(v2sf) =	vpush v0, $0x1  }
0x143: {  	s14 =	rddreg [dreg:$0x1c];
	(v2sf) =	vpush v0, $0x2  }
0x144: {  	s13 =	rddreg [dreg:$0x1d]  }
0x145: {  	s31 =	rddreg [dreg:$0x16];
	(v2sf) =	vpush v0, $0x3  }
0x146: {  	s12 =	rddreg [dreg:$0x1e]  }
0x147: {  	s16 =	rddreg [dreg:$0x1a];
	(v2sf) =	vpush v0, $0x4  }
0x148: {  	s17 =	rddreg [dreg:$0x19]  }
0x149: {  	s19 =	rddreg [dreg:$0x17];
	(v2sf) =	vpush v0, $0x5  }
0x14a: {  	s11 =	rddreg [dreg:$0x1f]  }
0x14b: {  	s29 =	rddreg [dreg:$0x15];
	(v2sf) =	vpush v0, $0x6  }
0x14c: {  	s10 =	sld [smem:$0x7F9]  }
0x14d: {  	s15 =	rddreg [dreg:$0x1b];
	(v2sf) =	vpush v0, $0x7  }
0x14e: {  	s9 =	sld [smem:$0x7FA]  }
0x14f: {  	s18 =	rddreg [dreg:$0x18];
	(v2sf) =	vpush v0, $0x8  }
0x150: {  	s8 =	sld [smem:$0x7FB];
	s30 =	spop (v2sf)  }
0x151: {  	s7 =	sld [smem:$0x7FC];
	(v2sf) =	vpush v0, $0x9;
	s21 =	sand.u32 $0x1FFFFFF0, s30;
	s24 =	spop (v2sf)  }
0x152: {  	s21 =	sadd.s32 s2, s21;
	s23 =	sand.u32 $0x1FFFFFF0, s24;
	s24 =	spop (v2sf)  }
0x153: {  	(v2sf) =	vpush v0, $0xA;
	[tilespmem:s29], [sflag:$0x1] =	stream.linear.gather [hbm4b:s21+s3], $0x80, $0x38;
	[tilespmem:$0x1080] =	vst v63  }
0x154: {  	s25 =	sadd.s32 s2, s23;
	s26 =	sand.u32 $0x1FFFFFF0, s24;
	s28 =	spop (v2sf)  }
0x155: {  	(v2sf) =	vpush v0, $0xB;
	[tilespmem:s31], [sflag:$0x1] =	stream.linear.gather [hbm4b:s25+s3], $0x80, $0x38;
	[tilespmem:$0x1080] =	vst v63  }
0x156: {  	s29 =	sadd.s32 s2, s26;
	s30 =	sand.u32 $0x1FFFFFF0, s28;
	s31 =	spop (v2sf)  }
0x157: {  	(v2sf) =	vpush v0, $0xC;
	[tilespmem:s19], [sflag:$0x1] =	stream.linear.gather [hbm4b:s29+s3], $0x80, $0x38;
	[tilespmem:$0x1080] =	vst v63  }
0x158: {  	s21 =	sadd.s32 s2, s30;
	s23 =	sand.u32 $0x1FFFFFF0, s31;
	s24 =	spop (v2sf)  }
0x159: {  	(v2sf) =	vpush v0, $0xD;
	[tilespmem:s18], [sflag:$0x1] =	stream.linear.gather [hbm4b:s21+s3], $0x80, $0x38;
	[tilespmem:$0x1080] =	vst v63  }
0x15a: {  	s25 =	sadd.s32 s2, s23;
	s26 =	sand.u32 $0x1FFFFFF0, s24;
	s28 =	spop (v2sf)  }
0x15b: {  	(v2sf) =	vpush v0, $0xE;
	[tilespmem:s17], [sflag:$0x1] =	stream.linear.gather [hbm4b:s25+s3], $0x80, $0x38;
	[tilespmem:$0x1080] =	vst v63  }
0x15c: {  	s29 =	sadd.s32 s2, s26;
	s30 =	sand.u32 $0x1FFFFFF0, s28;
	s31 =	spop (v2sf)  }
0x15d: {  	(v2sf) =	vpush v0, $0xF;
	[tilespmem:s16], [sflag:$0x1] =	stream.linear.gather [hbm4b:s29+s3], $0x80, $0x38;
	[tilespmem:$0x1080] =	vst v63  }
0x15e: {  	s18 =	sadd.s32 s2, s30;
	s20 =	sand.u32 $0x1FFFFFF0, s31;
	s21 =	spop (v2sf)  }
0x15f: {  	[tilespmem:s15], [sflag:$0x1] =	stream.linear.gather [hbm4b:s18+s3], $0x80, $0x38;
	[tilespmem:$0x1080] =	vst v63  }
0x160: {  	s22 =	sadd.s32 s2, s20;
	s23 =	sand.u32 $0x1FFFFFF0, s21;
	s24 =	spop (v2sf)  }
0x161: {  	[tilespmem:s14], [sflag:$0x1] =	stream.linear.gather [hbm4b:s22+s3], $0x80, $0x38;
	[tilespmem:$0x1080] =	vst v63  }
0x162: {  	s25 =	sadd.s32 s2, s23;
	s26 =	sand.u32 $0x1FFFFFF0, s24;
	s28 =	spop (v2sf)  }
0x163: {  	[tilespmem:s13], [sflag:$0x1] =	stream.linear.gather [hbm4b:s25+s3], $0x80, $0x38;
	[tilespmem:$0x1080] =	vst v63  }
0x164: {  	s29 =	sadd.s32 s2, s26;
	s30 =	sand.u32 $0x1FFFFFF0, s28;
	s31 =	spop (v2sf)  }
0x165: {  	[tilespmem:s12], [sflag:$0x1] =	stream.linear.gather [hbm4b:s29+s3], $0x80, $0x38;
	[tilespmem:$0x1080] =	vst v63  }
0x166: {  	s14 =	sadd.s32 s2, s30;
	s15 =	sand.u32 $0x1FFFFFF0, s31;
	s16 =	spop (v2sf)  }
0x167: {  	[tilespmem:s11], [sflag:$0x1] =	stream.linear.gather [hbm4b:s14+s3], $0x80, $0x38;
	[tilespmem:$0x1080] =	vst v63  }
0x168: {  	s17 =	sadd.s32 s2, s15;
	s18 =	sand.u32 $0x1FFFFFF0, s16;
	s19 =	spop (v2sf)  }
0x169: {  	[tilespmem:s10], [sflag:$0x1] =	stream.linear.gather [hbm4b:s17+s3], $0x80, $0x38;
	[tilespmem:$0x1080] =	vst v63  }
0x16a: {  	s20 =	sadd.s32 s2, s18;
	s21 =	sand.u32 $0x1FFFFFF0, s19;
	s22 =	spop (v2sf)  }
0x16b: {  	[tilespmem:s9], [sflag:$0x1] =	stream.linear.gather [hbm4b:s20+s3], $0x80, $0x38;
	[tilespmem:$0x1080] =	vst v63  }
0x16c: {  	s23 =	sadd.s32 s2, s21;
	s24 =	sand.u32 $0x1FFFFFF0, s22;
	s25 =	spop (v2sf)  }
0x16d: {  	[tilespmem:s8], [sflag:$0x1] =	stream.linear.gather [hbm4b:s23+s3], $0x80, $0x38;
	[tilespmem:$0x1080] =	vst v63  }
0x16e: {  	s29 =	sld [smem:$0x7FD];
	s26 =	sadd.s32 s2, s24;
	s28 =	sand.u32 $0x1FFFFFF0, s25  }
0x16f: {  	[tilespmem:s7], [sflag:$0x1] =	stream.linear.gather [hbm4b:s26+s3], $0x80, $0x38;
	[tilespmem:$0x1080] =	vst v63  }
0x170: {  	s30 =	sadd.s32 s2, s28  }
0x171: {  	[tilespmem:s29], [sflag:$0x1] =	stream.linear.gather [hbm4b:s30+s3], $0x80, $0x38;
	[tilespmem:$0x1080] =	vst v63  }
0x172: {  	_ =	swait.ge [sflag:s6], $0x1000  }
0x173: {  	[sflag:s6] =	ssyncset.done $0x0  }
0x174: {  	s31 =	rddreg [dreg:$0x5];
	[sflag:s6] =	ssyncadd.s32 $0xFFFFF000  }
0x175: {  	[hbm4b:s31+s3] =	stream.linear.scatter [tilespmem:s5], [sflag:$0x2], $0x1000, $0x38;
	[tilespmem:$0x1080] =	vst v63  }
0x176: {  	_ =	swait.ge [sflag:s4], $0x1000  }
0x177: {  	[sflag:s4] =	ssyncset.done $0x0  }
0x178: {  	[sflag:s4] =	ssyncadd.s32 $0xFFFFF000  }
0x179: {  	_ =	sfence.sel $0x180000  }
0x17a: {  	[bflag:$0x0] =	sbarrier.arrive $0xFFFF  }
0x17b: {  	p0 =	sne.s32 s0, $0x0;
	_ =	strace $0x90000047  }
0x17c: {  	s0 =	sadd.s32 @!p0 $0x100000, s1;
	[bflag:$0x2] =	sbarrier.arrive $0xFFFF  }
0x17d: {  	[sflag:s0] =	ssyncadd.tile.s32 @!p0 $0x1;
	_ =	shalt  }
.Lfunc_end2:
_tile_overlayer_lowered:
.L_overlay_start_2:
0x17e: {  	(tag) =	ssettag $0x2  }
0x17f: {  	s0 =	rddreg [dreg:$0x0];
	s2 =	stileid.u32  }
0x180: {  	s1 =	rddreg [dreg:$0x1];
	p0 =	sne.s32 s2, $0x0  }
0x181: {  	s3 =	rddreg [dreg:$0x2];
	[bflag:$0x3] =	sbarrier.arrive $0xFFFF;
	s2 =	simm.s32 @!p0 $0x1C02  }
0x182: {  	[timem:s3], [sflag:s2] =	dma.local @!p0 [hbm:s0], s1  }
0x183: {  	s0 =	simm.s32 @!p0 $0x2  }
0x184: {  	_ =	swait.ge @!p0 [sflag:s0], s1  }
0x185: {  	s1 =	ssub.s32 @!p0 $0x0, s1;
	[sflag:s0] =	ssyncset.done @!p0 $0x0  }
0x186: {  	[sflag:s0] =	ssyncadd.s32 @!p0 s1  }
0x187: {  	[bflag:$0x3] =	sbarrier.arrive $0xFFFF  }
0x188: {  	_ =	shalt  }

</sc_bundles>
